<compile_context>
chip_gen: v7x
topology: tpu7x:2x2x1
jax: 0.10.2.dev20260603
libtpu: 0.0.44.dev20260713+nightly
codegen_flags: <defaults>
</compile_context>

<pallas_src>
import jax
import jax.numpy as jnp
from jax import lax
from jax.experimental import pallas as pl
from jax.experimental.pallas import tpu as pltpu
from jax.experimental.pallas import tpu_sc as plsc

N_DIM = 128
G = 512
NC, NS = 2, 16
NW = NC * NS
CHUNK = 3200
STEPS = CHUNK // 16
NBINS = 640
NFEAT = 9
ACC = NFEAT * NBINS
MLP_BLOCK = 2048
BROWS = MLP_BLOCK // 128


def _mlp_body(e_ref, w1_ref, w2_ref, o_ref):
    a = jnp.dot(e_ref[...], w1_ref[...], preferred_element_type=jnp.float32)
    h = a / (1.0 + jnp.exp(-a))
    x = jnp.dot(h, w2_ref[...], preferred_element_type=jnp.float32)
    o_ref[...] = x.reshape(BROWS, 128)


def _mlp(e, w1, w2):
    n = e.shape[0]
    grid = (n + MLP_BLOCK - 1) // MLP_BLOCK
    return pl.pallas_call(
        _mlp_body,
        grid=(grid,),
        in_specs=[
            pl.BlockSpec((MLP_BLOCK, N_DIM), lambda i: (i, 0)),
            pl.BlockSpec((N_DIM, N_DIM), lambda i: (0, 0)),
            pl.BlockSpec((N_DIM, 1), lambda i: (0, 0)),
        ],
        out_specs=pl.BlockSpec((BROWS, 128), lambda i: (i, 0)),
        out_shape=jax.ShapeDtypeStruct((grid * BROWS, 128), jnp.float32),
    )(e, w1, w2)


def _make_sc_body(n):
    m_off = 128
    b_off = m_off
    z_off = b_off + n
    x_off = z_off + n
    px_off = x_off + n
    py_off = px_off + n
    pz_off = py_off + n

    def _sc_body(t_hbm, out_hbm,
                 b_v, z_v, x_v, px_v, py_v, pz_v, m_v, acc_v):
        wid = lax.axis_index("s") * NC + lax.axis_index("c")
        base = jnp.minimum(wid * CHUNK, n - CHUNK)
        base = pl.multiple_of(base, 32)
        skip = wid * CHUNK - base
        pltpu.sync_copy(t_hbm.at[pl.ds(0, 128)], m_v)
        pltpu.sync_copy(t_hbm.at[pl.ds(b_off + base, CHUNK)],
                        b_v.at[pl.ds(0, CHUNK)])
        pltpu.sync_copy(t_hbm.at[pl.ds(z_off + base, CHUNK)], z_v)
        pltpu.sync_copy(t_hbm.at[pl.ds(x_off + base, CHUNK)], x_v)
        pltpu.sync_copy(t_hbm.at[pl.ds(px_off + base, CHUNK)], px_v)
        pltpu.sync_copy(t_hbm.at[pl.ds(py_off + base, CHUNK)], py_v)
        pltpu.sync_copy(t_hbm.at[pl.ds(pz_off + base, CHUNK)], pz_v)

        zero16 = jnp.zeros((16,), jnp.float32)

        def zstep(k, c):
            for u in range(8):
                acc_v[pl.ds(k * 128 + u * 16, 16)] = zero16
            return c

        lax.fori_loop(0, ACC // 128, zstep, 0)

        lanes = lax.iota(jnp.int32, 16)

        def step(i, carry):
            off = i * 16
            b = plsc.bitcast(b_v[pl.ds(off, 16)], jnp.int32)
            b2 = plsc.bitcast(b_v[pl.ds(off + 1, 16)], jnp.int32)
            force = (lanes == 15) & (i == STEPS - 1)
            b2 = jnp.where(force, -1, b2)
            mask_p = b != b2
            mask_m = mask_p & (b2 >= 0)
            valid = (off + lanes) >= skip
            z = plsc.bitcast(z_v[pl.ds(off, 16)], jnp.int32)
            x = jnp.where(valid, x_v[pl.ds(off, 16)], 0.0)
            px = px_v[pl.ds(off, 16)]
            py = py_v[pl.ds(off, 16)]
            pz = pz_v[pl.ds(off, 16)]
            m = jnp.where(valid, plsc.load_gather(m_v, [z]), 0.0)
            p2 = px * px + py * py + pz * pz
            feats = (m, m * px, m * py, m * pz,
                     x, x * px, x * py, x * pz, x * p2)
            new_carry = []
            for f in range(NFEAT):
                cum = plsc.cumsum(feats[f]) + carry[f]
                plsc.addupdate_scatter(acc_v, [b + (f * NBINS)], cum,
                                       mask=mask_p)
                plsc.addupdate_scatter(acc_v, [b2 + (f * NBINS)], -cum,
                                       mask=mask_m)
                new_carry.append(cum[15])
            return tuple(new_carry)

        lax.fori_loop(0, STEPS, step, (jnp.float32(0.0),) * NFEAT)

        pltpu.sync_copy(acc_v, out_hbm.at[wid])

    return _sc_body


def _sc_segsums(t, n):
    mesh = plsc.VectorSubcoreMesh(
        core_axis_name="c", subcore_axis_name="s",
        num_cores=NC, num_subcores=NS)
    return pl.kernel(
        _make_sc_body(n),
        out_type=jax.ShapeDtypeStruct((NW, ACC), jnp.float32),
        mesh=mesh,
        compiler_params=pltpu.CompilerParams(needs_layout_passes=False),
        scratch_types=[
            pltpu.VMEM((CHUNK + 16,), jnp.float32),
            pltpu.VMEM((CHUNK,), jnp.float32),
            pltpu.VMEM((CHUNK,), jnp.float32),
            pltpu.VMEM((CHUNK,), jnp.float32),
            pltpu.VMEM((CHUNK,), jnp.float32),
            pltpu.VMEM((CHUNK,), jnp.float32),
            pltpu.VMEM((128,), jnp.float32),
            pltpu.VMEM((ACC,), jnp.float32),
        ],
    )(t)


def _ep_body(acc_ref, o_ref):
    s = jnp.sum(acc_ref[...], axis=0)
    m0 = s[0:1, :]
    mx, my, mz = s[1:2, :], s[2:3, :], s[3:4, :]
    s0 = s[4:5, :]
    sx, sy, sz = s[5:6, :], s[6:7, :], s[7:8, :]
    s2 = s[8:9, :]
    den = jnp.where(m0 > 0.5, m0, 1.0)
    cx, cy, cz = mx / den, my / den, mz / den
    out = s2 - 2.0 * (cx * sx + cy * sy + cz * sz) \
        + (cx * cx + cy * cy + cz * cz) * s0
    o_ref[...] = out[:, :G]


def _epilogue(acc):
    return pl.pallas_call(
        _ep_body,
        out_shape=jax.ShapeDtypeStruct((1, G), jnp.float32),
    )(acc)


def kernel(energy, pos, masses, W1, W2, atomic_numbers, batch):
    n = energy.shape[0]
    x_flat = _mlp(energy, W1, W2).reshape(-1)[:n]
    t = jnp.concatenate([
        jnp.pad(masses, (0, 128 - masses.shape[0]), constant_values=1.0),
        jax.lax.bitcast_convert_type(batch, jnp.float32),
        jax.lax.bitcast_convert_type(atomic_numbers, jnp.float32),
        x_flat,
        pos[:, 0], pos[:, 1], pos[:, 2],
    ])
    acc = _sc_segsums(t, n)
    out = _epilogue(acc.reshape(NW, NFEAT, NBINS))
    return out[0]

# --- scband reference (transcript-rebuilt; emitter-appended) ---
"""Pipeline reference for scband-spatial-extent-output-head-86337432584821 (READ-ONLY COPY).

The authoritative reference and input builder live on the scoring server;
editing this copy changes nothing except your own understanding.
"""

import jax, jax.numpy as jnp
import numpy as np

N = 100000
DIM = 128
NUM_GRAPHS = 512
NUM_ELEMENTS = 100


def setup_inputs(seed: int = 0) -> dict:
    key = jax.random.key(seed)
    ks = jax.random.split(key, 7)
    energy = jax.random.normal(ks[0], (N, DIM), dtype=jnp.float32)
    pos = jax.random.normal(ks[1], (N, 3), dtype=jnp.float32)
    atomic_numbers = jax.random.randint(ks[2], (N,), 0, NUM_ELEMENTS)
    batch = jnp.sort(jax.random.randint(ks[3], (N,), 0, NUM_GRAPHS))
    # atomic masses: strictly positive (like real atomic masses)
    masses = jax.random.uniform(ks[4], (NUM_ELEMENTS,), dtype=jnp.float32, minval=1.0, maxval=200.0)
    W1 = jax.random.normal(ks[5], (DIM, DIM), dtype=jnp.float32) / np.sqrt(DIM)
    W2 = jax.random.normal(ks[6], (DIM, 1), dtype=jnp.float32) / np.sqrt(DIM)
    return {
        'energy': energy,
        'pos': pos,
        'masses': masses,
        'W1': W1,
        'W2': W2,
        'atomic_numbers': atomic_numbers,
        'batch': batch,
    }


def reference(energy, pos, masses, W1, W2, atomic_numbers, batch):
    # scalar MLP on per-atom embeddings: Linear(dim,dim,bias=False) -> SiLU -> Linear(dim,1,bias=False)
    h = jax.nn.silu(jnp.dot(energy, W1))
    x = jnp.dot(h, W2)  # [N, 1]

    # per-atom masses via embedding lookup
    m = jnp.take(masses, atomic_numbers, axis=0)[:, None]  # [N, 1]

    # center of mass per graph (segment scatter-sum)
    num = jax.ops.segment_sum(m * pos, batch, num_segments=NUM_GRAPHS)  # [G, 3]
    den = jax.ops.segment_sum(m, batch, num_segments=NUM_GRAPHS)       # [G, 1]
    center_of_mass = num / den                                          # [G, 3]

    # squared distance of each atom to its graph's COM
    d = pos - center_of_mass[batch]
    pos_norm_sq = jnp.sum(d * d, axis=-1, keepdims=True)  # [N, 1]

    x = x * pos_norm_sq
    out = jax.ops.segment_sum(x, batch, num_segments=NUM_GRAPHS)  # [G, 1]
    return out[:, 0]  # [G]

if __name__ == "__main__":
    import jax
    _d = setup_inputs()
    print(jax.jit(kernel)(*tuple(_d.values())))

</pallas_src>

<mosaic_0001>
#map = affine_map<(d0, d1) -> (0)>
#map1 = affine_map<(d0, d1) -> (0, 0)>
module attributes {stable_mosaic.version = 14 : i64} {
  func.func @_sc_body(%arg0: i32, %arg1: i32, %arg2: memref<600128xf32, #tpu.memory_space<hbm>>, %arg3: memref<32x5760xf32, #tpu.memory_space<hbm>>, %arg4: memref<3216xf32, #tpu.memory_space<vmem>>, %arg5: memref<3200xf32, #tpu.memory_space<vmem>>, %arg6: memref<3200xf32, #tpu.memory_space<vmem>>, %arg7: memref<3200xf32, #tpu.memory_space<vmem>>, %arg8: memref<3200xf32, #tpu.memory_space<vmem>>, %arg9: memref<3200xf32, #tpu.memory_space<vmem>>, %arg10: memref<128xf32, #tpu.memory_space<vmem>>, %arg11: memref<5760xf32, #tpu.memory_space<vmem>>) attributes {dimension_semantics = [#tpu.dimension_semantics<core_parallel>, #tpu.dimension_semantics<subcore_parallel>], iteration_bounds = array<i64: 2, 16>, scalar_prefetch = 0 : i64, scratch_operands = 8 : i64, tpu.core_type = #tpu.core_type<sc_vector_subcore>, window_params = [{transform_indices = #map}, {transform_indices = #map1}]} {
    %mul3A = arith.constant 2 : i32
    %mul3A_0 = arith.muli %arg1, %mul3A : i32
    %add3A = arith.addi %mul3A_0, %arg0 : i32
    %mul3A_1 = arith.constant 3200 : i32
    %mul3A_2 = arith.muli %add3A, %mul3A_1 : i32
    %min3A = arith.constant 96800 : i32
    %min3A_3 = arith.minsi %mul3A_2, %min3A : i32
    %multiple_of3A = tpu.assume_multiple %min3A_3, 32 : i32
    %mul3A_4 = arith.constant 3200 : i32
    %mul3A_5 = arith.muli %add3A, %mul3A_4 : i32
    %sub3A = arith.subi %mul3A_5, %multiple_of3A : i32
    "tpu.region"() ({
      %run_scoped3A = tpu.sem_alloc : memref<!tpu.dma_semaphore, #tpu.memory_space<semaphore_mem>>
      %dma_start3A = arith.constant 0 : i32
      %dma_start3A_39 = tpu.memref_slice %arg2[%dma_start3A] : memref<600128xf32, #tpu.memory_space<hbm>> -> memref<128xf32, #tpu.memory_space<hbm>>
      %dma_start3A_40 = arith.constant 0 : i32
      %dma_start3A_41 = tpu.memref_slice %arg2[%dma_start3A_40] : memref<600128xf32, #tpu.memory_space<hbm>> -> memref<128xf32, #tpu.memory_space<hbm>>
      tpu.enqueue_dma source(%dma_start3A_41 : memref<128xf32, #tpu.memory_space<hbm>>) target(%arg10 : memref<128xf32, #tpu.memory_space<vmem>>) target_semaphore(%run_scoped3A : memref<!tpu.dma_semaphore, #tpu.memory_space<semaphore_mem>>)
      %dma_wait3A = arith.constant 0 : i32
      %dma_wait3A_42 = tpu.memref_slice %arg2[%dma_wait3A] : memref<600128xf32, #tpu.memory_space<hbm>> -> memref<128xf32, #tpu.memory_space<hbm>>
      %dma_wait3A_43 = arith.constant 0 : i32
      %dma_wait3A_44 = tpu.memref_slice %arg2[%dma_wait3A_43] : memref<600128xf32, #tpu.memory_space<hbm>> -> memref<128xf32, #tpu.memory_space<hbm>>
      tpu.wait_dma2 semaphore(%run_scoped3A : memref<!tpu.dma_semaphore, #tpu.memory_space<semaphore_mem>>) src(%dma_wait3A_44 : memref<128xf32, #tpu.memory_space<hbm>>) dst(%arg10 : memref<128xf32, #tpu.memory_space<vmem>>)
      tpu.yield
    }) : () -> ()
    %add3A_6 = arith.constant 128 : i32
    %add3A_7 = arith.addi %add3A_6, %multiple_of3A : i32
    "tpu.region"() ({
      %run_scoped3A = tpu.sem_alloc : memref<!tpu.dma_semaphore, #tpu.memory_space<semaphore_mem>>
      %dma_start3A = arith.constant 0 : i32
      %dma_start3A_39 = tpu.memref_slice %arg4[%dma_start3A] : memref<3216xf32, #tpu.memory_space<vmem>> -> memref<3200xf32, #tpu.memory_space<vmem>>
      %dma_start3A_40 = tpu.memref_slice %arg2[%add3A_7] : memref<600128xf32, #tpu.memory_space<hbm>> -> memref<3200xf32, #tpu.memory_space<hbm>>
      %dma_start3A_41 = arith.constant 0 : i32
      %dma_start3A_42 = tpu.memref_slice %arg4[%dma_start3A_41] : memref<3216xf32, #tpu.memory_space<vmem>> -> memref<3200xf32, #tpu.memory_space<vmem>>
      %dma_start3A_43 = tpu.memref_slice %arg2[%add3A_7] : memref<600128xf32, #tpu.memory_space<hbm>> -> memref<3200xf32, #tpu.memory_space<hbm>>
      tpu.enqueue_dma source(%dma_start3A_43 : memref<3200xf32, #tpu.memory_space<hbm>>) target(%dma_start3A_42 : memref<3200xf32, #tpu.memory_space<vmem>>) target_semaphore(%run_scoped3A : memref<!tpu.dma_semaphore, #tpu.memory_space<semaphore_mem>>)
      %dma_wait3A = arith.constant 0 : i32
      %dma_wait3A_44 = tpu.memref_slice %arg4[%dma_wait3A] : memref<3216xf32, #tpu.memory_space<vmem>> -> memref<3200xf32, #tpu.memory_space<vmem>>
      %dma_wait3A_45 = tpu.memref_slice %arg2[%add3A_7] : memref<600128xf32, #tpu.memory_space<hbm>> -> memref<3200xf32, #tpu.memory_space<hbm>>
      %dma_wait3A_46 = arith.constant 0 : i32
      %dma_wait3A_47 = tpu.memref_slice %arg4[%dma_wait3A_46] : memref<3216xf32, #tpu.memory_space<vmem>> -> memref<3200xf32, #tpu.memory_space<vmem>>
      %dma_wait3A_48 = tpu.memref_slice %arg2[%add3A_7] : memref<600128xf32, #tpu.memory_space<hbm>> -> memref<3200xf32, #tpu.memory_space<hbm>>
      tpu.wait_dma2 semaphore(%run_scoped3A : memref<!tpu.dma_semaphore, #tpu.memory_space<semaphore_mem>>) src(%dma_wait3A_48 : memref<3200xf32, #tpu.memory_space<hbm>>) dst(%dma_wait3A_47 : memref<3200xf32, #tpu.memory_space<vmem>>)
      tpu.yield
    }) : () -> ()
    %add3A_8 = arith.constant 100128 : i32
    %add3A_9 = arith.addi %add3A_8, %multiple_of3A : i32
    "tpu.region"() ({
      %run_scoped3A = tpu.sem_alloc : memref<!tpu.dma_semaphore, #tpu.memory_space<semaphore_mem>>
      %dma_start3A = tpu.memref_slice %arg2[%add3A_9] : memref<600128xf32, #tpu.memory_space<hbm>> -> memref<3200xf32, #tpu.memory_space<hbm>>
      %dma_start3A_39 = tpu.memref_slice %arg2[%add3A_9] : memref<600128xf32, #tpu.memory_space<hbm>> -> memref<3200xf32, #tpu.memory_space<hbm>>
      tpu.enqueue_dma source(%dma_start3A_39 : memref<3200xf32, #tpu.memory_space<hbm>>) target(%arg5 : memref<3200xf32, #tpu.memory_space<vmem>>) target_semaphore(%run_scoped3A : memref<!tpu.dma_semaphore, #tpu.memory_space<semaphore_mem>>)
      %dma_wait3A = tpu.memref_slice %arg2[%add3A_9] : memref<600128xf32, #tpu.memory_space<hbm>> -> memref<3200xf32, #tpu.memory_space<hbm>>
      %dma_wait3A_40 = tpu.memref_slice %arg2[%add3A_9] : memref<600128xf32, #tpu.memory_space<hbm>> -> memref<3200xf32, #tpu.memory_space<hbm>>
      tpu.wait_dma2 semaphore(%run_scoped3A : memref<!tpu.dma_semaphore, #tpu.memory_space<semaphore_mem>>) src(%dma_wait3A_40 : memref<3200xf32, #tpu.memory_space<hbm>>) dst(%arg5 : memref<3200xf32, #tpu.memory_space<vmem>>)
      tpu.yield
    }) : () -> ()
    %add3A_10 = arith.constant 200128 : i32
    %add3A_11 = arith.addi %add3A_10, %multiple_of3A : i32
    "tpu.region"() ({
      %run_scoped3A = tpu.sem_alloc : memref<!tpu.dma_semaphore, #tpu.memory_space<semaphore_mem>>
      %dma_start3A = tpu.memref_slice %arg2[%add3A_11] : memref<600128xf32, #tpu.memory_space<hbm>> -> memref<3200xf32, #tpu.memory_space<hbm>>
      %dma_start3A_39 = tpu.memref_slice %arg2[%add3A_11] : memref<600128xf32, #tpu.memory_space<hbm>> -> memref<3200xf32, #tpu.memory_space<hbm>>
      tpu.enqueue_dma source(%dma_start3A_39 : memref<3200xf32, #tpu.memory_space<hbm>>) target(%arg6 : memref<3200xf32, #tpu.memory_space<vmem>>) target_semaphore(%run_scoped3A : memref<!tpu.dma_semaphore, #tpu.memory_space<semaphore_mem>>)
      %dma_wait3A = tpu.memref_slice %arg2[%add3A_11] : memref<600128xf32, #tpu.memory_space<hbm>> -> memref<3200xf32, #tpu.memory_space<hbm>>
      %dma_wait3A_40 = tpu.memref_slice %arg2[%add3A_11] : memref<600128xf32, #tpu.memory_space<hbm>> -> memref<3200xf32, #tpu.memory_space<hbm>>
      tpu.wait_dma2 semaphore(%run_scoped3A : memref<!tpu.dma_semaphore, #tpu.memory_space<semaphore_mem>>) src(%dma_wait3A_40 : memref<3200xf32, #tpu.memory_space<hbm>>) dst(%arg6 : memref<3200xf32, #tpu.memory_space<vmem>>)
      tpu.yield
    }) : () -> ()
    %add3A_12 = arith.constant 300128 : i32
    %add3A_13 = arith.addi %add3A_12, %multiple_of3A : i32
    "tpu.region"() ({
      %run_scoped3A = tpu.sem_alloc : memref<!tpu.dma_semaphore, #tpu.memory_space<semaphore_mem>>
      %dma_start3A = tpu.memref_slice %arg2[%add3A_13] : memref<600128xf32, #tpu.memory_space<hbm>> -> memref<3200xf32, #tpu.memory_space<hbm>>
      %dma_start3A_39 = tpu.memref_slice %arg2[%add3A_13] : memref<600128xf32, #tpu.memory_space<hbm>> -> memref<3200xf32, #tpu.memory_space<hbm>>
      tpu.enqueue_dma source(%dma_start3A_39 : memref<3200xf32, #tpu.memory_space<hbm>>) target(%arg7 : memref<3200xf32, #tpu.memory_space<vmem>>) target_semaphore(%run_scoped3A : memref<!tpu.dma_semaphore, #tpu.memory_space<semaphore_mem>>)
      %dma_wait3A = tpu.memref_slice %arg2[%add3A_13] : memref<600128xf32, #tpu.memory_space<hbm>> -> memref<3200xf32, #tpu.memory_space<hbm>>
      %dma_wait3A_40 = tpu.memref_slice %arg2[%add3A_13] : memref<600128xf32, #tpu.memory_space<hbm>> -> memref<3200xf32, #tpu.memory_space<hbm>>
      tpu.wait_dma2 semaphore(%run_scoped3A : memref<!tpu.dma_semaphore, #tpu.memory_space<semaphore_mem>>) src(%dma_wait3A_40 : memref<3200xf32, #tpu.memory_space<hbm>>) dst(%arg7 : memref<3200xf32, #tpu.memory_space<vmem>>)
      tpu.yield
    }) : () -> ()
    %add3A_14 = arith.constant 400128 : i32
    %add3A_15 = arith.addi %add3A_14, %multiple_of3A : i32
    "tpu.region"() ({
      %run_scoped3A = tpu.sem_alloc : memref<!tpu.dma_semaphore, #tpu.memory_space<semaphore_mem>>
      %dma_start3A = tpu.memref_slice %arg2[%add3A_15] : memref<600128xf32, #tpu.memory_space<hbm>> -> memref<3200xf32, #tpu.memory_space<hbm>>
      %dma_start3A_39 = tpu.memref_slice %arg2[%add3A_15] : memref<600128xf32, #tpu.memory_space<hbm>> -> memref<3200xf32, #tpu.memory_space<hbm>>
      tpu.enqueue_dma source(%dma_start3A_39 : memref<3200xf32, #tpu.memory_space<hbm>>) target(%arg8 : memref<3200xf32, #tpu.memory_space<vmem>>) target_semaphore(%run_scoped3A : memref<!tpu.dma_semaphore, #tpu.memory_space<semaphore_mem>>)
      %dma_wait3A = tpu.memref_slice %arg2[%add3A_15] : memref<600128xf32, #tpu.memory_space<hbm>> -> memref<3200xf32, #tpu.memory_space<hbm>>
      %dma_wait3A_40 = tpu.memref_slice %arg2[%add3A_15] : memref<600128xf32, #tpu.memory_space<hbm>> -> memref<3200xf32, #tpu.memory_space<hbm>>
      tpu.wait_dma2 semaphore(%run_scoped3A : memref<!tpu.dma_semaphore, #tpu.memory_space<semaphore_mem>>) src(%dma_wait3A_40 : memref<3200xf32, #tpu.memory_space<hbm>>) dst(%arg8 : memref<3200xf32, #tpu.memory_space<vmem>>)
      tpu.yield
    }) : () -> ()
    %add3A_16 = arith.constant 500128 : i32
    %add3A_17 = arith.addi %add3A_16, %multiple_of3A : i32
    "tpu.region"() ({
      %run_scoped3A = tpu.sem_alloc : memref<!tpu.dma_semaphore, #tpu.memory_space<semaphore_mem>>
      %dma_start3A = tpu.memref_slice %arg2[%add3A_17] : memref<600128xf32, #tpu.memory_space<hbm>> -> memref<3200xf32, #tpu.memory_space<hbm>>
      %dma_start3A_39 = tpu.memref_slice %arg2[%add3A_17] : memref<600128xf32, #tpu.memory_space<hbm>> -> memref<3200xf32, #tpu.memory_space<hbm>>
      tpu.enqueue_dma source(%dma_start3A_39 : memref<3200xf32, #tpu.memory_space<hbm>>) target(%arg9 : memref<3200xf32, #tpu.memory_space<vmem>>) target_semaphore(%run_scoped3A : memref<!tpu.dma_semaphore, #tpu.memory_space<semaphore_mem>>)
      %dma_wait3A = tpu.memref_slice %arg2[%add3A_17] : memref<600128xf32, #tpu.memory_space<hbm>> -> memref<3200xf32, #tpu.memory_space<hbm>>
      %dma_wait3A_40 = tpu.memref_slice %arg2[%add3A_17] : memref<600128xf32, #tpu.memory_space<hbm>> -> memref<3200xf32, #tpu.memory_space<hbm>>
      tpu.wait_dma2 semaphore(%run_scoped3A : memref<!tpu.dma_semaphore, #tpu.memory_space<semaphore_mem>>) src(%dma_wait3A_40 : memref<3200xf32, #tpu.memory_space<hbm>>) dst(%arg9 : memref<3200xf32, #tpu.memory_space<vmem>>)
      tpu.yield
    }) : () -> ()
    %broadcast_in_dim3A = arith.constant 0.000000e+00 : f32
    %broadcast_in_dim3A_18 = vector.broadcast %broadcast_in_dim3A : f32 to vector<16xf32>
    %scan3A = arith.constant 0 : i32
    %scan3A_19 = arith.constant 0 : i32
    %scan3A_20 = arith.constant 45 : i32
    %scan3A_21 = arith.addi %scan3A_19, %scan3A_20 : i32
    %scan3A_22 = arith.constant 1 : i32
    scf.for %scan3A_39 = %scan3A_19 to %scan3A_21 step %scan3A_22  : i32 {
      %mul3A_40 = arith.constant 128 : i32
      %mul3A_41 = arith.muli %scan3A_39, %mul3A_40 : i32
      %add3A_42 = arith.constant 0 : i32
      %add3A_43 = arith.addi %mul3A_41, %add3A_42 : i32
      %swap3A = arith.index_cast %add3A_43 : i32 to index
      %swap3A_44 = tpu.vector_load %arg11[%swap3A] {strides = array<i32>} : memref<5760xf32, #tpu.memory_space<vmem>>, vector<16xf32>,
      tpu.vector_store %arg11[%swap3A], %broadcast_in_dim3A_18 {strides = array<i32>} : memref<5760xf32, #tpu.memory_space<vmem>>, vector<16xf32>,
      %mul3A_45 = arith.constant 128 : i32
      %mul3A_46 = arith.muli %scan3A_39, %mul3A_45 : i32
      %add3A_47 = arith.constant 16 : i32
      %add3A_48 = arith.addi %mul3A_46, %add3A_47 : i32
      %swap3A_49 = arith.index_cast %add3A_48 : i32 to index
      %swap3A_50 = tpu.vector_load %arg11[%swap3A_49] {strides = array<i32>} : memref<5760xf32, #tpu.memory_space<vmem>>, vector<16xf32>,
      tpu.vector_store %arg11[%swap3A_49], %broadcast_in_dim3A_18 {strides = array<i32>} : memref<5760xf32, #tpu.memory_space<vmem>>, vector<16xf32>,
      %mul3A_51 = arith.constant 128 : i32
      %mul3A_52 = arith.muli %scan3A_39, %mul3A_51 : i32
      %add3A_53 = arith.constant 32 : i32
      %add3A_54 = arith.addi %mul3A_52, %add3A_53 : i32
      %swap3A_55 = arith.index_cast %add3A_54 : i32 to index
      %swap3A_56 = tpu.vector_load %arg11[%swap3A_55] {strides = array<i32>} : memref<5760xf32, #tpu.memory_space<vmem>>, vector<16xf32>,
      tpu.vector_store %arg11[%swap3A_55], %broadcast_in_dim3A_18 {strides = array<i32>} : memref<5760xf32, #tpu.memory_space<vmem>>, vector<16xf32>,
      %mul3A_57 = arith.constant 128 : i32
      %mul3A_58 = arith.muli %scan3A_39, %mul3A_57 : i32
      %add3A_59 = arith.constant 48 : i32
      %add3A_60 = arith.addi %mul3A_58, %add3A_59 : i32
      %swap3A_61 = arith.index_cast %add3A_60 : i32 to index
      %swap3A_62 = tpu.vector_load %arg11[%swap3A_61] {strides = array<i32>} : memref<5760xf32, #tpu.memory_space<vmem>>, vector<16xf32>,
      tpu.vector_store %arg11[%swap3A_61], %broadcast_in_dim3A_18 {strides = array<i32>} : memref<5760xf32, #tpu.memory_space<vmem>>, vector<16xf32>,
      %mul3A_63 = arith.constant 128 : i32
      %mul3A_64 = arith.muli %scan3A_39, %mul3A_63 : i32
      %add3A_65 = arith.constant 64 : i32
      %add3A_66 = arith.addi %mul3A_64, %add3A_65 : i32
      %swap3A_67 = arith.index_cast %add3A_66 : i32 to index
      %swap3A_68 = tpu.vector_load %arg11[%swap3A_67] {strides = array<i32>} : memref<5760xf32, #tpu.memory_space<vmem>>, vector<16xf32>,
      tpu.vector_store %arg11[%swap3A_67], %broadcast_in_dim3A_18 {strides = array<i32>} : memref<5760xf32, #tpu.memory_space<vmem>>, vector<16xf32>,
      %mul3A_69 = arith.constant 128 : i32
      %mul3A_70 = arith.muli %scan3A_39, %mul3A_69 : i32
      %add3A_71 = arith.constant 80 : i32
      %add3A_72 = arith.addi %mul3A_70, %add3A_71 : i32
      %swap3A_73 = arith.index_cast %add3A_72 : i32 to index
      %swap3A_74 = tpu.vector_load %arg11[%swap3A_73] {strides = array<i32>} : memref<5760xf32, #tpu.memory_space<vmem>>, vector<16xf32>,
      tpu.vector_store %arg11[%swap3A_73], %broadcast_in_dim3A_18 {strides = array<i32>} : memref<5760xf32, #tpu.memory_space<vmem>>, vector<16xf32>,
      %mul3A_75 = arith.constant 128 : i32
      %mul3A_76 = arith.muli %scan3A_39, %mul3A_75 : i32
      %add3A_77 = arith.constant 96 : i32
      %add3A_78 = arith.addi %mul3A_76, %add3A_77 : i32
      %swap3A_79 = arith.index_cast %add3A_78 : i32 to index
      %swap3A_80 = tpu.vector_load %arg11[%swap3A_79] {strides = array<i32>} : memref<5760xf32, #tpu.memory_space<vmem>>, vector<16xf32>,
      tpu.vector_store %arg11[%swap3A_79], %broadcast_in_dim3A_18 {strides = array<i32>} : memref<5760xf32, #tpu.memory_space<vmem>>, vector<16xf32>,
      %mul3A_81 = arith.constant 128 : i32
      %mul3A_82 = arith.muli %scan3A_39, %mul3A_81 : i32
      %add3A_83 = arith.constant 112 : i32
      %add3A_84 = arith.addi %mul3A_82, %add3A_83 : i32
      %swap3A_85 = arith.index_cast %add3A_84 : i32 to index
      %swap3A_86 = tpu.vector_load %arg11[%swap3A_85] {strides = array<i32>} : memref<5760xf32, #tpu.memory_space<vmem>>, vector<16xf32>,
      tpu.vector_store %arg11[%swap3A_85], %broadcast_in_dim3A_18 {strides = array<i32>} : memref<5760xf32, #tpu.memory_space<vmem>>, vector<16xf32>,
    }
    %scan3A_23 = arith.constant 45 : i32
    %iota3A = tpu.iota {dimensions = array<i32: 0>} : vector<16xi32>
    %scan3A_24 = arith.constant 0.000000e+00 : f32
    %scan3A_25 = arith.constant 0.000000e+00 : f32
    %scan3A_26 = arith.constant 0.000000e+00 : f32
    %scan3A_27 = arith.constant 0.000000e+00 : f32
    %scan3A_28 = arith.constant 0.000000e+00 : f32
    %scan3A_29 = arith.constant 0.000000e+00 : f32
    %scan3A_30 = arith.constant 0.000000e+00 : f32
    %scan3A_31 = arith.constant 0.000000e+00 : f32
    %scan3A_32 = arith.constant 0.000000e+00 : f32
    %scan3A_33 = arith.constant 0 : i32
    %scan3A_34 = arith.constant 200 : i32
    %scan3A_35 = arith.addi %scan3A_33, %scan3A_34 : i32
    %scan3A_36 = arith.constant 1 : i32
    %scan3A_37:9 = scf.for %scan3A_39 = %scan3A_33 to %scan3A_35 step %scan3A_36 iter_args(%scan3A_40 = %scan3A_24, %scan3A_41 = %scan3A_25, %scan3A_42 = %scan3A_26, %scan3A_43 = %scan3A_27, %scan3A_44 = %scan3A_28, %scan3A_45 = %scan3A_29, %scan3A_46 = %scan3A_30, %scan3A_47 = %scan3A_31, %scan3A_48 = %scan3A_32) -> (f32, f32, f32, f32, f32, f32, f32, f32, f32)  : i32 {
      %mul3A_49 = arith.constant 16 : i32
      %mul3A_50 = arith.muli %scan3A_39, %mul3A_49 : i32
      %get3A = arith.index_cast %mul3A_50 : i32 to index
      %get3A_51 = tpu.vector_load %arg4[%get3A] {strides = array<i32>} : memref<3216xf32, #tpu.memory_space<vmem>>, vector<16xf32>,
      %bitcast3A = vector.bitcast %get3A_51 : vector<16xf32> to vector<16xi32>
      %add3A_52 = arith.constant 1 : i32
      %add3A_53 = arith.addi %mul3A_50, %add3A_52 : i32
      %get3A_54 = arith.index_cast %add3A_53 : i32 to index
      %get3A_55 = tpu.vector_load %arg4[%get3A_54] {strides = array<i32>} : memref<3216xf32, #tpu.memory_space<vmem>>, vector<16xf32>,
      %bitcast3A_56 = vector.bitcast %get3A_55 : vector<16xf32> to vector<16xi32>
      %eq3A = arith.constant 15 : i32
      %eq3A_57 = vector.broadcast %eq3A : i32 to vector<16xi32>
      %eq3A_58 = arith.cmpi eq, %iota3A, %eq3A_57 : vector<16xi32>
      %eq3A_59 = arith.constant 199 : i32
      %eq3A_60 = arith.cmpi eq, %scan3A_39, %eq3A_59 : i32
      %and3A = vector.broadcast %eq3A_60 : i1 to vector<16xi1>
      %and3A_61 = arith.andi %eq3A_58, %and3A : vector<16xi1>
      %jit3A = arith.constant -1 : i32
      %broadcast_in_dim3A_62 = vector.broadcast %jit3A : i32 to vector<16xi32>
      %select_n3A = arith.select %and3A_61, %broadcast_in_dim3A_62, %bitcast3A_56 : vector<16xi1>, vector<16xi32>
      %ne3A = arith.cmpi ne, %bitcast3A, %select_n3A : vector<16xi32>
      %ge3A = arith.constant 0 : i32
      %ge3A_63 = vector.broadcast %ge3A : i32 to vector<16xi32>
      %ge3A_64 = arith.cmpi sge, %select_n3A, %ge3A_63 : vector<16xi32>
      %and3A_65 = arith.andi %ne3A, %ge3A_64 : vector<16xi1>
      %add3A_66 = vector.broadcast %mul3A_50 : i32 to vector<16xi32>
      %add3A_67 = arith.addi %add3A_66, %iota3A : vector<16xi32>
      %ge3A_68 = vector.broadcast %sub3A : i32 to vector<16xi32>
      %ge3A_69 = arith.cmpi sge, %add3A_67, %ge3A_68 : vector<16xi32>
      %get3A_70 = arith.index_cast %mul3A_50 : i32 to index
      %get3A_71 = tpu.vector_load %arg5[%get3A_70] {strides = array<i32>} : memref<3200xf32, #tpu.memory_space<vmem>>, vector<16xf32>,
      %bitcast3A_72 = vector.bitcast %get3A_71 : vector<16xf32> to vector<16xi32>
      %get3A_73 = arith.index_cast %mul3A_50 : i32 to index
      %get3A_74 = tpu.vector_load %arg6[%get3A_73] {strides = array<i32>} : memref<3200xf32, #tpu.memory_space<vmem>>, vector<16xf32>,
      %jit3A_75 = arith.constant 0.000000e+00 : f32
      %broadcast_in_dim3A_76 = vector.broadcast %jit3A_75 : f32 to vector<16xf32>
      %select_n3A_77 = arith.select %ge3A_69, %get3A_74, %broadcast_in_dim3A_76 : vector<16xi1>, vector<16xf32>
      %get3A_78 = arith.index_cast %mul3A_50 : i32 to index
      %get3A_79 = tpu.vector_load %arg7[%get3A_78] {strides = array<i32>} : memref<3200xf32, #tpu.memory_space<vmem>>, vector<16xf32>,
      %get3A_80 = arith.index_cast %mul3A_50 : i32 to index
      %get3A_81 = tpu.vector_load %arg8[%get3A_80] {strides = array<i32>} : memref<3200xf32, #tpu.memory_space<vmem>>, vector<16xf32>,
      %get3A_82 = arith.index_cast %mul3A_50 : i32 to index
      %get3A_83 = tpu.vector_load %arg9[%get3A_82] {strides = array<i32>} : memref<3200xf32, #tpu.memory_space<vmem>>, vector<16xf32>,
      %gather3A = tpu.vector_load_idx %arg10[%bitcast3A_72] : memref<128xf32, #tpu.memory_space<vmem>>[vector<16xi32>], vector<16xf32>,
      %jit3A_84 = arith.constant 0.000000e+00 : f32
      %broadcast_in_dim3A_85 = vector.broadcast %jit3A_84 : f32 to vector<16xf32>
      %select_n3A_86 = arith.select %ge3A_69, %gather3A, %broadcast_in_dim3A_85 : vector<16xi1>, vector<16xf32>
      %mul3A_87 = arith.mulf %get3A_79, %get3A_79 : vector<16xf32>
      %mul3A_88 = arith.mulf %get3A_81, %get3A_81 : vector<16xf32>
      %add3A_89 = arith.addf %mul3A_87, %mul3A_88 : vector<16xf32>
      %mul3A_90 = arith.mulf %get3A_83, %get3A_83 : vector<16xf32>
      %add3A_91 = arith.addf %add3A_89, %mul3A_90 : vector<16xf32>
      %mul3A_92 = arith.mulf %select_n3A_86, %get3A_79 : vector<16xf32>
      %mul3A_93 = arith.mulf %select_n3A_86, %get3A_81 : vector<16xf32>
      %mul3A_94 = arith.mulf %select_n3A_86, %get3A_83 : vector<16xf32>
      %mul3A_95 = arith.mulf %select_n3A_77, %get3A_79 : vector<16xf32>
      %mul3A_96 = arith.mulf %select_n3A_77, %get3A_81 : vector<16xf32>
      %mul3A_97 = arith.mulf %select_n3A_77, %get3A_83 : vector<16xf32>
      %mul3A_98 = arith.mulf %select_n3A_77, %add3A_91 : vector<16xf32>
      %broadcast_in_dim3A_99 = arith.constant true
      %broadcast_in_dim3A_100 = vector.broadcast %broadcast_in_dim3A_99 : i1 to vector<16xi1>
      %masked_cumsum3A = tpu.scan <sum>, %select_n3A_86 masked %broadcast_in_dim3A_100 : vector<16xf32>, vector<16xi1> -> vector<16xf32>
      %add3A_101 = vector.broadcast %scan3A_40 : f32 to vector<16xf32>
      %add3A_102 = arith.addf %masked_cumsum3A, %add3A_101 : vector<16xf32>
      %add3A_103 = arith.constant 0 : i32
      %add3A_104 = vector.broadcast %add3A_103 : i32 to vector<16xi32>
      %add3A_105 = arith.addi %bitcast3A, %add3A_104 : vector<16xi32>
      tpu.vector_store_idx %arg11[%add3A_105], %add3A_102 masked %ne3A {add = true} : memref<5760xf32, #tpu.memory_space<vmem>>[vector<16xi32>], vector<16xf32>, vector<16xi1>
      %add3A_106 = arith.constant 0 : i32
      %add3A_107 = vector.broadcast %add3A_106 : i32 to vector<16xi32>
      %add3A_108 = arith.addi %select_n3A, %add3A_107 : vector<16xi32>
      %neg3A = arith.constant 0.000000e+00 : f32
      %neg3A_109 = vector.broadcast %neg3A : f32 to vector<16xf32>
      %neg3A_110 = arith.subf %neg3A_109, %add3A_102 : vector<16xf32>
      tpu.vector_store_idx %arg11[%add3A_108], %neg3A_110 masked %and3A_65 {add = true} : memref<5760xf32, #tpu.memory_space<vmem>>[vector<16xi32>], vector<16xf32>, vector<16xi1>
      %slice3A = vector.extract_strided_slice %add3A_102 {offsets = [15], sizes = [1], strides = [1]} : vector<16xf32> to vector<1xf32>
      %squeeze3A = vector.extract %slice3A[0] : f32 from vector<1xf32>
      %broadcast_in_dim3A_111 = arith.constant true
      %broadcast_in_dim3A_112 = vector.broadcast %broadcast_in_dim3A_111 : i1 to vector<16xi1>
      %masked_cumsum3A_113 = tpu.scan <sum>, %mul3A_92 masked %broadcast_in_dim3A_112 : vector<16xf32>, vector<16xi1> -> vector<16xf32>
      %add3A_114 = vector.broadcast %scan3A_41 : f32 to vector<16xf32>
      %add3A_115 = arith.addf %masked_cumsum3A_113, %add3A_114 : vector<16xf32>
      %add3A_116 = arith.constant 640 : i32
      %add3A_117 = vector.broadcast %add3A_116 : i32 to vector<16xi32>
      %add3A_118 = arith.addi %bitcast3A, %add3A_117 : vector<16xi32>
      tpu.vector_store_idx %arg11[%add3A_118], %add3A_115 masked %ne3A {add = true} : memref<5760xf32, #tpu.memory_space<vmem>>[vector<16xi32>], vector<16xf32>, vector<16xi1>
      %add3A_119 = arith.constant 640 : i32
      %add3A_120 = vector.broadcast %add3A_119 : i32 to vector<16xi32>
      %add3A_121 = arith.addi %select_n3A, %add3A_120 : vector<16xi32>
      %neg3A_122 = arith.constant 0.000000e+00 : f32
      %neg3A_123 = vector.broadcast %neg3A_122 : f32 to vector<16xf32>
      %neg3A_124 = arith.subf %neg3A_123, %add3A_115 : vector<16xf32>
      tpu.vector_store_idx %arg11[%add3A_121], %neg3A_124 masked %and3A_65 {add = true} : memref<5760xf32, #tpu.memory_space<vmem>>[vector<16xi32>], vector<16xf32>, vector<16xi1>
      %slice3A_125 = vector.extract_strided_slice %add3A_115 {offsets = [15], sizes = [1], strides = [1]} : vector<16xf32> to vector<1xf32>
      %squeeze3A_126 = vector.extract %slice3A_125[0] : f32 from vector<1xf32>
      %broadcast_in_dim3A_127 = arith.constant true
      %broadcast_in_dim3A_128 = vector.broadcast %broadcast_in_dim3A_127 : i1 to vector<16xi1>
      %masked_cumsum3A_129 = tpu.scan <sum>, %mul3A_93 masked %broadcast_in_dim3A_128 : vector<16xf32>, vector<16xi1> -> vector<16xf32>
      %add3A_130 = vector.broadcast %scan3A_42 : f32 to vector<16xf32>
      %add3A_131 = arith.addf %masked_cumsum3A_129, %add3A_130 : vector<16xf32>
      %add3A_132 = arith.constant 1280 : i32
      %add3A_133 = vector.broadcast %add3A_132 : i32 to vector<16xi32>
      %add3A_134 = arith.addi %bitcast3A, %add3A_133 : vector<16xi32>
      tpu.vector_store_idx %arg11[%add3A_134], %add3A_131 masked %ne3A {add = true} : memref<5760xf32, #tpu.memory_space<vmem>>[vector<16xi32>], vector<16xf32>, vector<16xi1>
      %add3A_135 = arith.constant 1280 : i32
      %add3A_136 = vector.broadcast %add3A_135 : i32 to vector<16xi32>
      %add3A_137 = arith.addi %select_n3A, %add3A_136 : vector<16xi32>
      %neg3A_138 = arith.constant 0.000000e+00 : f32
      %neg3A_139 = vector.broadcast %neg3A_138 : f32 to vector<16xf32>
      %neg3A_140 = arith.subf %neg3A_139, %add3A_131 : vector<16xf32>
      tpu.vector_store_idx %arg11[%add3A_137], %neg3A_140 masked %and3A_65 {add = true} : memref<5760xf32, #tpu.memory_space<vmem>>[vector<16xi32>], vector<16xf32>, vector<16xi1>
      %slice3A_141 = vector.extract_strided_slice %add3A_131 {offsets = [15], sizes = [1], strides = [1]} : vector<16xf32> to vector<1xf32>
      %squeeze3A_142 = vector.extract %slice3A_141[0] : f32 from vector<1xf32>
      %broadcast_in_dim3A_143 = arith.constant true
      %broadcast_in_dim3A_144 = vector.broadcast %broadcast_in_dim3A_143 : i1 to vector<16xi1>
      %masked_cumsum3A_145 = tpu.scan <sum>, %mul3A_94 masked %broadcast_in_dim3A_144 : vector<16xf32>, vector<16xi1> -> vector<16xf32>
      %add3A_146 = vector.broadcast %scan3A_43 : f32 to vector<16xf32>
      %add3A_147 = arith.addf %masked_cumsum3A_145, %add3A_146 : vector<16xf32>
      %add3A_148 = arith.constant 1920 : i32
      %add3A_149 = vector.broadcast %add3A_148 : i32 to vector<16xi32>
      %add3A_150 = arith.addi %bitcast3A, %add3A_149 : vector<16xi32>
      tpu.vector_store_idx %arg11[%add3A_150], %add3A_147 masked %ne3A {add = true} : memref<5760xf32, #tpu.memory_space<vmem>>[vector<16xi32>], vector<16xf32>, vector<16xi1>
      %add3A_151 = arith.constant 1920 : i32
      %add3A_152 = vector.broadcast %add3A_151 : i32 to vector<16xi32>
      %add3A_153 = arith.addi %select_n3A, %add3A_152 : vector<16xi32>
      %neg3A_154 = arith.constant 0.000000e+00 : f32
      %neg3A_155 = vector.broadcast %neg3A_154 : f32 to vector<16xf32>
      %neg3A_156 = arith.subf %neg3A_155, %add3A_147 : vector<16xf32>
      tpu.vector_store_idx %arg11[%add3A_153], %neg3A_156 masked %and3A_65 {add = true} : memref<5760xf32, #tpu.memory_space<vmem>>[vector<16xi32>], vector<16xf32>, vector<16xi1>
      %slice3A_157 = vector.extract_strided_slice %add3A_147 {offsets = [15], sizes = [1], strides = [1]} : vector<16xf32> to vector<1xf32>
      %squeeze3A_158 = vector.extract %slice3A_157[0] : f32 from vector<1xf32>
      %broadcast_in_dim3A_159 = arith.constant true
      %broadcast_in_dim3A_160 = vector.broadcast %broadcast_in_dim3A_159 : i1 to vector<16xi1>
      %masked_cumsum3A_161 = tpu.scan <sum>, %select_n3A_77 masked %broadcast_in_dim3A_160 : vector<16xf32>, vector<16xi1> -> vector<16xf32>
      %add3A_162 = vector.broadcast %scan3A_44 : f32 to vector<16xf32>
      %add3A_163 = arith.addf %masked_cumsum3A_161, %add3A_162 : vector<16xf32>
      %add3A_164 = arith.constant 2560 : i32
      %add3A_165 = vector.broadcast %add3A_164 : i32 to vector<16xi32>
      %add3A_166 = arith.addi %bitcast3A, %add3A_165 : vector<16xi32>
      tpu.vector_store_idx %arg11[%add3A_166], %add3A_163 masked %ne3A {add = true} : memref<5760xf32, #tpu.memory_space<vmem>>[vector<16xi32>], vector<16xf32>, vector<16xi1>
      %add3A_167 = arith.constant 2560 : i32
      %add3A_168 = vector.broadcast %add3A_167 : i32 to vector<16xi32>
      %add3A_169 = arith.addi %select_n3A, %add3A_168 : vector<16xi32>
      %neg3A_170 = arith.constant 0.000000e+00 : f32
      %neg3A_171 = vector.broadcast %neg3A_170 : f32 to vector<16xf32>
      %neg3A_172 = arith.subf %neg3A_171, %add3A_163 : vector<16xf32>
      tpu.vector_store_idx %arg11[%add3A_169], %neg3A_172 masked %and3A_65 {add = true} : memref<5760xf32, #tpu.memory_space<vmem>>[vector<16xi32>], vector<16xf32>, vector<16xi1>
      %slice3A_173 = vector.extract_strided_slice %add3A_163 {offsets = [15], sizes = [1], strides = [1]} : vector<16xf32> to vector<1xf32>
      %squeeze3A_174 = vector.extract %slice3A_173[0] : f32 from vector<1xf32>
      %broadcast_in_dim3A_175 = arith.constant true
      %broadcast_in_dim3A_176 = vector.broadcast %broadcast_in_dim3A_175 : i1 to vector<16xi1>
      %masked_cumsum3A_177 = tpu.scan <sum>, %mul3A_95 masked %broadcast_in_dim3A_176 : vector<16xf32>, vector<16xi1> -> vector<16xf32>
      %add3A_178 = vector.broadcast %scan3A_45 : f32 to vector<16xf32>
      %add3A_179 = arith.addf %masked_cumsum3A_177, %add3A_178 : vector<16xf32>
      %add3A_180 = arith.constant 3200 : i32
      %add3A_181 = vector.broadcast %add3A_180 : i32 to vector<16xi32>
      %add3A_182 = arith.addi %bitcast3A, %add3A_181 : vector<16xi32>
      tpu.vector_store_idx %arg11[%add3A_182], %add3A_179 masked %ne3A {add = true} : memref<5760xf32, #tpu.memory_space<vmem>>[vector<16xi32>], vector<16xf32>, vector<16xi1>
      %add3A_183 = arith.constant 3200 : i32
      %add3A_184 = vector.broadcast %add3A_183 : i32 to vector<16xi32>
      %add3A_185 = arith.addi %select_n3A, %add3A_184 : vector<16xi32>
      %neg3A_186 = arith.constant 0.000000e+00 : f32
      %neg3A_187 = vector.broadcast %neg3A_186 : f32 to vector<16xf32>
      %neg3A_188 = arith.subf %neg3A_187, %add3A_179 : vector<16xf32>
      tpu.vector_store_idx %arg11[%add3A_185], %neg3A_188 masked %and3A_65 {add = true} : memref<5760xf32, #tpu.memory_space<vmem>>[vector<16xi32>], vector<16xf32>, vector<16xi1>
      %slice3A_189 = vector.extract_strided_slice %add3A_179 {offsets = [15], sizes = [1], strides = [1]} : vector<16xf32> to vector<1xf32>
      %squeeze3A_190 = vector.extract %slice3A_189[0] : f32 from vector<1xf32>
      %broadcast_in_dim3A_191 = arith.constant true
      %broadcast_in_dim3A_192 = vector.broadcast %broadcast_in_dim3A_191 : i1 to vector<16xi1>
      %masked_cumsum3A_193 = tpu.scan <sum>, %mul3A_96 masked %broadcast_in_dim3A_192 : vector<16xf32>, vector<16xi1> -> vector<16xf32>
      %add3A_194 = vector.broadcast %scan3A_46 : f32 to vector<16xf32>
      %add3A_195 = arith.addf %masked_cumsum3A_193, %add3A_194 : vector<16xf32>
      %add3A_196 = arith.constant 3840 : i32
      %add3A_197 = vector.broadcast %add3A_196 : i32 to vector<16xi32>
      %add3A_198 = arith.addi %bitcast3A, %add3A_197 : vector<16xi32>
      tpu.vector_store_idx %arg11[%add3A_198], %add3A_195 masked %ne3A {add = true} : memref<5760xf32, #tpu.memory_space<vmem>>[vector<16xi32>], vector<16xf32>, vector<16xi1>
      %add3A_199 = arith.constant 3840 : i32
      %add3A_200 = vector.broadcast %add3A_199 : i32 to vector<16xi32>
      %add3A_201 = arith.addi %select_n3A, %add3A_200 : vector<16xi32>
      %neg3A_202 = arith.constant 0.000000e+00 : f32
      %neg3A_203 = vector.broadcast %neg3A_202 : f32 to vector<16xf32>
      %neg3A_204 = arith.subf %neg3A_203, %add3A_195 : vector<16xf32>
      tpu.vector_store_idx %arg11[%add3A_201], %neg3A_204 masked %and3A_65 {add = true} : memref<5760xf32, #tpu.memory_space<vmem>>[vector<16xi32>], vector<16xf32>, vector<16xi1>
      %slice3A_205 = vector.extract_strided_slice %add3A_195 {offsets = [15], sizes = [1], strides = [1]} : vector<16xf32> to vector<1xf32>
      %squeeze3A_206 = vector.extract %slice3A_205[0] : f32 from vector<1xf32>
      %broadcast_in_dim3A_207 = arith.constant true
      %broadcast_in_dim3A_208 = vector.broadcast %broadcast_in_dim3A_207 : i1 to vector<16xi1>
      %masked_cumsum3A_209 = tpu.scan <sum>, %mul3A_97 masked %broadcast_in_dim3A_208 : vector<16xf32>, vector<16xi1> -> vector<16xf32>
      %add3A_210 = vector.broadcast %scan3A_47 : f32 to vector<16xf32>
      %add3A_211 = arith.addf %masked_cumsum3A_209, %add3A_210 : vector<16xf32>
      %add3A_212 = arith.constant 4480 : i32
      %add3A_213 = vector.broadcast %add3A_212 : i32 to vector<16xi32>
      %add3A_214 = arith.addi %bitcast3A, %add3A_213 : vector<16xi32>
      tpu.vector_store_idx %arg11[%add3A_214], %add3A_211 masked %ne3A {add = true} : memref<5760xf32, #tpu.memory_space<vmem>>[vector<16xi32>], vector<16xf32>, vector<16xi1>
      %add3A_215 = arith.constant 4480 : i32
      %add3A_216 = vector.broadcast %add3A_215 : i32 to vector<16xi32>
      %add3A_217 = arith.addi %select_n3A, %add3A_216 : vector<16xi32>
      %neg3A_218 = arith.constant 0.000000e+00 : f32
      %neg3A_219 = vector.broadcast %neg3A_218 : f32 to vector<16xf32>
      %neg3A_220 = arith.subf %neg3A_219, %add3A_211 : vector<16xf32>
      tpu.vector_store_idx %arg11[%add3A_217], %neg3A_220 masked %and3A_65 {add = true} : memref<5760xf32, #tpu.memory_space<vmem>>[vector<16xi32>], vector<16xf32>, vector<16xi1>
      %slice3A_221 = vector.extract_strided_slice %add3A_211 {offsets = [15], sizes = [1], strides = [1]} : vector<16xf32> to vector<1xf32>
      %squeeze3A_222 = vector.extract %slice3A_221[0] : f32 from vector<1xf32>
      %broadcast_in_dim3A_223 = arith.constant true
      %broadcast_in_dim3A_224 = vector.broadcast %broadcast_in_dim3A_223 : i1 to vector<16xi1>
      %masked_cumsum3A_225 = tpu.scan <sum>, %mul3A_98 masked %broadcast_in_dim3A_224 : vector<16xf32>, vector<16xi1> -> vector<16xf32>
      %add3A_226 = vector.broadcast %scan3A_48 : f32 to vector<16xf32>
      %add3A_227 = arith.addf %masked_cumsum3A_225, %add3A_226 : vector<16xf32>
      %add3A_228 = arith.constant 5120 : i32
      %add3A_229 = vector.broadcast %add3A_228 : i32 to vector<16xi32>
      %add3A_230 = arith.addi %bitcast3A, %add3A_229 : vector<16xi32>
      tpu.vector_store_idx %arg11[%add3A_230], %add3A_227 masked %ne3A {add = true} : memref<5760xf32, #tpu.memory_space<vmem>>[vector<16xi32>], vector<16xf32>, vector<16xi1>
      %add3A_231 = arith.constant 5120 : i32
      %add3A_232 = vector.broadcast %add3A_231 : i32 to vector<16xi32>
      %add3A_233 = arith.addi %select_n3A, %add3A_232 : vector<16xi32>
      %neg3A_234 = arith.constant 0.000000e+00 : f32
      %neg3A_235 = vector.broadcast %neg3A_234 : f32 to vector<16xf32>
      %neg3A_236 = arith.subf %neg3A_235, %add3A_227 : vector<16xf32>
      tpu.vector_store_idx %arg11[%add3A_233], %neg3A_236 masked %and3A_65 {add = true} : memref<5760xf32, #tpu.memory_space<vmem>>[vector<16xi32>], vector<16xf32>, vector<16xi1>
      %slice3A_237 = vector.extract_strided_slice %add3A_227 {offsets = [15], sizes = [1], strides = [1]} : vector<16xf32> to vector<1xf32>
      %squeeze3A_238 = vector.extract %slice3A_237[0] : f32 from vector<1xf32>
      scf.yield %squeeze3A, %squeeze3A_126, %squeeze3A_142, %squeeze3A_158, %squeeze3A_174, %squeeze3A_190, %squeeze3A_206, %squeeze3A_222, %squeeze3A_238 : f32, f32, f32, f32, f32, f32, f32, f32, f32
    }
    %scan3A_38 = arith.constant 200 : i32
    "tpu.region"() ({
      %run_scoped3A = tpu.sem_alloc : memref<!tpu.dma_semaphore, #tpu.memory_space<semaphore_mem>>
      %dma_start3A = arith.constant 0 : i32
      %dma_start3A_39 = tpu.memref_slice %arg3[%add3A, %dma_start3A] : memref<32x5760xf32, #tpu.memory_space<hbm>> -> memref<1x5760xf32, #tpu.memory_space<hbm>>
      %dma_start3A_40 = tpu.memref_squeeze %dma_start3A_39 : memref<1x5760xf32, #tpu.memory_space<hbm>> -> memref<5760xf32, #tpu.memory_space<hbm>>
      %dma_start3A_41 = arith.constant 0 : i32
      %dma_start3A_42 = tpu.memref_slice %arg3[%add3A, %dma_start3A_41] : memref<32x5760xf32, #tpu.memory_space<hbm>> -> memref<1x5760xf32, #tpu.memory_space<hbm>>
      %dma_start3A_43 = tpu.memref_squeeze %dma_start3A_42 : memref<1x5760xf32, #tpu.memory_space<hbm>> -> memref<5760xf32, #tpu.memory_space<hbm>>
      tpu.enqueue_dma source(%arg11 : memref<5760xf32, #tpu.memory_space<vmem>>) target(%dma_start3A_43 : memref<5760xf32, #tpu.memory_space<hbm>>) target_semaphore(%run_scoped3A : memref<!tpu.dma_semaphore, #tpu.memory_space<semaphore_mem>>)
      %dma_wait3A = arith.constant 0 : i32
      %dma_wait3A_44 = tpu.memref_slice %arg3[%add3A, %dma_wait3A] : memref<32x5760xf32, #tpu.memory_space<hbm>> -> memref<1x5760xf32, #tpu.memory_space<hbm>>
      %dma_wait3A_45 = tpu.memref_squeeze %dma_wait3A_44 : memref<1x5760xf32, #tpu.memory_space<hbm>> -> memref<5760xf32, #tpu.memory_space<hbm>>
      %dma_wait3A_46 = arith.constant 0 : i32
      %dma_wait3A_47 = tpu.memref_slice %arg3[%add3A, %dma_wait3A_46] : memref<32x5760xf32, #tpu.memory_space<hbm>> -> memref<1x5760xf32, #tpu.memory_space<hbm>>
      %dma_wait3A_48 = tpu.memref_squeeze %dma_wait3A_47 : memref<1x5760xf32, #tpu.memory_space<hbm>> -> memref<5760xf32, #tpu.memory_space<hbm>>
      tpu.wait_dma2 semaphore(%run_scoped3A : memref<!tpu.dma_semaphore, #tpu.memory_space<semaphore_mem>>) src(%arg11 : memref<5760xf32, #tpu.memory_space<vmem>>) dst(%dma_wait3A_48 : memref<5760xf32, #tpu.memory_space<hbm>>)
      tpu.yield
    }) : () -> ()
    return
  }
}

module attributes {stable_mosaic.version = 14 : i64} {
  func.func @_mlp_body(%arg0: i32, %arg1: memref<2048x128xf32, #tpu.memory_space<vmem>>, %arg2: memref<128x128xf32, #tpu.memory_space<vmem>>, %arg3: memref<128x1xf32, #tpu.memory_space<vmem>>, %arg4: memref<16x128xf32, #tpu.memory_space<vmem>>) attributes {dimension_semantics = [#tpu.dimension_semantics<arbitrary>], iteration_bounds = array<i64: 49>, scalar_prefetch = 0 : i64, scratch_operands = 0 : i64, tpu.core_type = #tpu.core_type<tc>, window_params = [{transform_indices = @transform_0, window_bounds = array<i64: 2048, 128>}, {pipeline_mode = #tpu.pipeline_mode<synchronous>, transform_indices = @transform_1, window_bounds = array<i64: 128, 128>}, {pipeline_mode = #tpu.pipeline_mode<synchronous>, transform_indices = @transform_2, window_bounds = array<i64: 128, 1>}, {transform_indices = @transform_3, window_bounds = array<i64: 16, 128>}]} {
    %get3A = arith.constant 0 : index
    %get3A_0 = arith.constant 0 : index
    %get3A_1 = vector.load %arg1[%get3A, %get3A_0] : memref<2048x128xf32, #tpu.memory_space<vmem>>, vector<2048x128xf32>
    %get3A_2 = arith.constant 0 : index
    %get3A_3 = arith.constant 0 : index
    %get3A_4 = vector.load %arg2[%get3A_2, %get3A_3] : memref<128x128xf32, #tpu.memory_space<vmem>>, vector<128x128xf32>
    %dot_general3A = arith.constant dense<0.000000e+00> : vector<2048x128xf32>
    %dot_general3A_5 = tpu.matmul %get3A_1, %get3A_4, %dot_general3A {dimension_numbers = #tpu.dot_dimension_numbers<[1], [0], [0], [1], [0, 0, 1, 1], [], []>, transpose_lhs_hint = false} : vector<2048x128xf32>, vector<128x128xf32>, vector<2048x128xf32> -> vector<2048x128xf32>
    %neg3A = arith.constant 0.000000e+00 : f32
    %neg3A_6 = vector.broadcast %neg3A : f32 to vector<2048x128xf32>
    %neg3A_7 = arith.subf %neg3A_6, %dot_general3A_5 : vector<2048x128xf32>
    %exp3A = math.exp %neg3A_7 : vector<2048x128xf32>
    %add3A = arith.constant 1.000000e+00 : f32
    %add3A_8 = vector.broadcast %add3A : f32 to vector<2048x128xf32>
    %add3A_9 = arith.addf %add3A_8, %exp3A : vector<2048x128xf32>
    %div3A = arith.divf %dot_general3A_5, %add3A_9 : vector<2048x128xf32>
    %get3A_10 = arith.constant 0 : index
    %get3A_11 = arith.constant 0 : index
    %get3A_12 = vector.load %arg3[%get3A_10, %get3A_11] : memref<128x1xf32, #tpu.memory_space<vmem>>, vector<128x1xf32>
    %dot_general3A_13 = arith.constant dense<0.000000e+00> : vector<2048x1xf32>
    %dot_general3A_14 = tpu.matmul %div3A, %get3A_12, %dot_general3A_13 {dimension_numbers = #tpu.dot_dimension_numbers<[1], [0], [0], [1], [0, 0, 1, 1], [], []>, transpose_lhs_hint = false} : vector<2048x128xf32>, vector<128x1xf32>, vector<2048x1xf32> -> vector<2048x1xf32>
    %reshape3A = vector.shape_cast %dot_general3A_14 : vector<2048x1xf32> to vector<16x128xf32>
    %swap3A = arith.constant 0 : index
    %swap3A_15 = arith.constant 0 : index
    %swap3A_16 = vector.load %arg4[%swap3A, %swap3A_15] : memref<16x128xf32, #tpu.memory_space<vmem>>, vector<16x128xf32>
    tpu.vector_store %arg4[%swap3A, %swap3A_15], %reshape3A {strides = array<i32>} : memref<16x128xf32, #tpu.memory_space<vmem>>, vector<16x128xf32>,
    return
  }
  func.func @transform_0(%arg0: i32) -> (i32, i32) {
    %c0_i32 = arith.constant 0 : i32
    %c0_i32_0 = arith.constant 0 : i32
    return %arg0, %c0_i32 : i32, i32
  }
  func.func @transform_1(%arg0: i32) -> (i32, i32) {
    %c0_i32 = arith.constant 0 : i32
    %c0_i32_0 = arith.constant 0 : i32
    %c0_i32_1 = arith.constant 0 : i32
    return %c0_i32, %c0_i32_0 : i32, i32
  }
  func.func @transform_2(%arg0: i32) -> (i32, i32) {
    %c0_i32 = arith.constant 0 : i32
    %c0_i32_0 = arith.constant 0 : i32
    %c0_i32_1 = arith.constant 0 : i32
    return %c0_i32, %c0_i32_0 : i32, i32
  }
  func.func @transform_3(%arg0: i32) -> (i32, i32) {
    %c0_i32 = arith.constant 0 : i32
    %c0_i32_0 = arith.constant 0 : i32
    return %arg0, %c0_i32 : i32, i32
  }
}

module attributes {stable_mosaic.version = 14 : i64} {
  func.func @_ep_body(%arg0: memref<32x9x640xf32, #tpu.memory_space<vmem>>, %arg1: memref<1x512xf32, #tpu.memory_space<vmem>>) attributes {dimension_semantics = [], scalar_prefetch = 0 : i64, scratch_operands = 0 : i64, tpu.core_type = #tpu.core_type<tc>} {
    %get3A = arith.constant 0 : index
    %get3A_0 = arith.constant 0 : index
    %get3A_1 = arith.constant 0 : index
    %get3A_2 = vector.load %arg0[%get3A, %get3A_0, %get3A_1] : memref<32x9x640xf32, #tpu.memory_space<vmem>>, vector<32x9x640xf32>
    %reduce_sum3A = arith.constant dense<0.000000e+00> : vector<9x640xf32>
    %reduce_sum3A_3 = vector.multi_reduction <add>, %get3A_2, %reduce_sum3A [0] : vector<32x9x640xf32> to vector<9x640xf32>
    %slice3A = vector.extract_strided_slice %reduce_sum3A_3 {offsets = [0, 0], sizes = [1, 640], strides = [1, 1]} : vector<9x640xf32> to vector<1x640xf32>
    %slice3A_4 = vector.extract_strided_slice %reduce_sum3A_3 {offsets = [1, 0], sizes = [1, 640], strides = [1, 1]} : vector<9x640xf32> to vector<1x640xf32>
    %slice3A_5 = vector.extract_strided_slice %reduce_sum3A_3 {offsets = [2, 0], sizes = [1, 640], strides = [1, 1]} : vector<9x640xf32> to vector<1x640xf32>
    %slice3A_6 = vector.extract_strided_slice %reduce_sum3A_3 {offsets = [3, 0], sizes = [1, 640], strides = [1, 1]} : vector<9x640xf32> to vector<1x640xf32>
    %slice3A_7 = vector.extract_strided_slice %reduce_sum3A_3 {offsets = [4, 0], sizes = [1, 640], strides = [1, 1]} : vector<9x640xf32> to vector<1x640xf32>
    %slice3A_8 = vector.extract_strided_slice %reduce_sum3A_3 {offsets = [5, 0], sizes = [1, 640], strides = [1, 1]} : vector<9x640xf32> to vector<1x640xf32>
    %slice3A_9 = vector.extract_strided_slice %reduce_sum3A_3 {offsets = [6, 0], sizes = [1, 640], strides = [1, 1]} : vector<9x640xf32> to vector<1x640xf32>
    %slice3A_10 = vector.extract_strided_slice %reduce_sum3A_3 {offsets = [7, 0], sizes = [1, 640], strides = [1, 1]} : vector<9x640xf32> to vector<1x640xf32>
    %slice3A_11 = vector.extract_strided_slice %reduce_sum3A_3 {offsets = [8, 0], sizes = [1, 640], strides = [1, 1]} : vector<9x640xf32> to vector<1x640xf32>
    %gt3A = arith.constant 5.000000e-01 : f32
    %gt3A_12 = vector.broadcast %gt3A : f32 to vector<1x640xf32>
    %gt3A_13 = arith.cmpf ogt, %slice3A, %gt3A_12 : vector<1x640xf32>
    %jit3A = arith.constant 1.000000e+00 : f32
    %broadcast_in_dim3A = vector.broadcast %jit3A : f32 to vector<1x640xf32>
    %select_n3A = arith.select %gt3A_13, %slice3A, %broadcast_in_dim3A : vector<1x640xi1>, vector<1x640xf32>
    %div3A = arith.divf %slice3A_4, %select_n3A : vector<1x640xf32>
    %div3A_14 = arith.divf %slice3A_5, %select_n3A : vector<1x640xf32>
    %div3A_15 = arith.divf %slice3A_6, %select_n3A : vector<1x640xf32>
    %mul3A = arith.mulf %div3A, %slice3A_8 : vector<1x640xf32>
    %mul3A_16 = arith.mulf %div3A_14, %slice3A_9 : vector<1x640xf32>
    %add3A = arith.addf %mul3A, %mul3A_16 : vector<1x640xf32>
    %mul3A_17 = arith.mulf %div3A_15, %slice3A_10 : vector<1x640xf32>
    %add3A_18 = arith.addf %add3A, %mul3A_17 : vector<1x640xf32>
    %mul3A_19 = arith.constant 2.000000e+00 : f32
    %mul3A_20 = vector.broadcast %mul3A_19 : f32 to vector<1x640xf32>
    %mul3A_21 = arith.mulf %mul3A_20, %add3A_18 : vector<1x640xf32>
    %sub3A = arith.subf %slice3A_11, %mul3A_21 : vector<1x640xf32>
    %mul3A_22 = arith.mulf %div3A, %div3A : vector<1x640xf32>
    %mul3A_23 = arith.mulf %div3A_14, %div3A_14 : vector<1x640xf32>
    %add3A_24 = arith.addf %mul3A_22, %mul3A_23 : vector<1x640xf32>
    %mul3A_25 = arith.mulf %div3A_15, %div3A_15 : vector<1x640xf32>
    %add3A_26 = arith.addf %add3A_24, %mul3A_25 : vector<1x640xf32>
    %mul3A_27 = arith.mulf %add3A_26, %slice3A_7 : vector<1x640xf32>
    %add3A_28 = arith.addf %sub3A, %mul3A_27 : vector<1x640xf32>
    %slice3A_29 = vector.extract_strided_slice %add3A_28 {offsets = [0, 0], sizes = [1, 512], strides = [1, 1]} : vector<1x640xf32> to vector<1x512xf32>
    %swap3A = arith.constant 0 : index
    %swap3A_30 = arith.constant 0 : index
    %swap3A_31 = vector.load %arg1[%swap3A, %swap3A_30] : memref<1x512xf32, #tpu.memory_space<vmem>>, vector<1x512xf32>
    tpu.vector_store %arg1[%swap3A, %swap3A_30], %slice3A_29 {strides = array<i32>} : memref<1x512xf32, #tpu.memory_space<vmem>>, vector<1x512xf32>,
    return
  }
}

</mosaic_0001>

<sc_bundles>
// kernel: kernel.5.cloned.1.call-start
scs
__scs_entry_jumppad:
0x0: {  	(pc) =	sbr.rel $0x88, $3  }
0x1: {  	(tag) =	ssettag $0x0;
	lr =	simm.s32 $0x1  }
0x2: {  	[smem:$0x3F9A] =	sst lr;
	_ =	strace $0xD0000000  }
0x3: {  	_ = 	snop  }
0x4: {  	_ = 	snop  }
0x5: {  	_ = 	snop  }
0x6: {  	_ = 	snop  }
0x7: {  	_ = 	snop  }
__scs_overlays_trampoline_lowered:
0x8: {  	[smem:$0x3FA9] =	sst s0  }
0x9: {  	[smem:$0x3FAA] =	sst s1  }
0xa: {  	[smem:$0x3FAB] =	sst s2  }
0xb: {  	[smem:$0x3FAC] =	sst s3  }
0xc: {  	[smem:$0x3FAD] =	sst s4  }
0xd: {  	[smem:$0x3FAE] =	sst s5  }
0xe: {  	[smem:$0x3FAF] =	sst s6  }
0xf: {  	[smem:$0x3FB0] =	sst s7  }
0x10: {  	[smem:$0x3FB1] =	sst s8  }
0x11: {  	[smem:$0x3FB2] =	sst s9;
	s0 =	simm.s32 @!p0 $0x0  }
0x12: {  	s1 =	sld [smem:$0x3F98];
	s0 =	simm.s32 @p0 $0x1  }
0x13: {  	[smem:$0x3FB3] =	sst s0;
	s0 =	simm.s32 @!p1 $0x0  }
0x14: {  	s2 =	sld [smem:$0x3F97];
	s0 =	simm.s32 @p1 $0x1  }
0x15: {  	[smem:$0x3FB4] =	sst s0;
	s0 =	simm.s32 @!p2 $0x0  }
0x16: {  	s3 =	sld [smem:$0x3FDB];
	s0 =	simm.s32 @p2 $0x1  }
0x17: {  	s4 =	simm.s32 $0x1BF5;
	[smem:$0x3FB6] =	sst s0  }
0x18: {  	s0 =	sld [smem:$0x3F99];
	_ =	swait.ge [sflag:s4], $0x0  }
0x19: {  	s7 =	sld [smem:$0x3F9A]  }
0x1a: {  	s8 =	sadd.s32 $0xFFFFE003, lr  }
0x1b: {  	s9 =	sadd.s32 $0xFFFFFEF7, lr;
	s5 =	simm.s32 $0xFFFFFFFF;
	p2 =	slt.u32 s8, $0xFFFFF086  }
0x1c: {  	p1 =	slt.u32 s9, $0xF7A;
	s5 =	simm.s32 @!p2 $0x0  }
0x1d: {  	s5 =	simm.s32 @p1 $0x1;
	p0 =	seq.s32 s7, s2  }
0x1e: {  	s7 =	smul.u32 @!p0 $0xF7A, s2;
	p2 =	seq.s32 @!p0 s5, $0x0  }
0x1f: {  	s9 =	smul.u32 $0xF7A, s1;
	s8 =	simm.s32 @!p0 $0x1BF5;
	p2 =	por !p2, p0  }
0x20: {  	[sflag:s8] =	ssyncset.s32 @!p0 $0xFFFFF086;
	s6 =	sadd.s32 @!p0 s3, s7;
	s7 =	simm.s32 @!p0 $0x108  }
0x21: {  	s3 =	sadd.s32 s3, s9;
	s6 =	sadd.s32 @!p0 $0x88, s6;
	s7 =	simm.s32 @p2 $0x1082  }
0x22: {  	[simem:s7], [sflag:s8] =	dma.local @!p0 [hbm:s6], $0xF7A  }
0x23: {  	s9 =	sor.u32 $0xD0000000, s2;
	s6 =	simm.s32 $0x108;
	_ =	swait.ge @!p0 [sflag:s8], $0x0  }
0x24: {  	s3 =	sadd.s32 $0x88, s3;
	s6 =	simm.s32 @!p1 $0x1082;
	[sflag:s4] =	ssyncset.s32 $0xFFFFF086  }
0x25: {  	[simem:s6], [sflag:s4] =	dma.local [hbm:s3], $0xF7A  }
0x26: {  	[smem:$0x3F9A] =	sst s1;
	(tag) =	ssettag s2;
	_ =	strace s9  }
0x27: {  	s1 =	sld [smem:$0x3FAA]  }
0x28: {  	s2 =	sld [smem:$0x3FAB]  }
0x29: {  	s4 =	sld [smem:$0x3FAD]  }
0x2a: {  	p0 =	seq.s32 s5, $0x0;
	s5 =	sld [smem:$0x3FAE]  }
0x2b: {  	s6 =	sld [smem:$0x3FAF]  }
0x2c: {  	s7 =	sld [smem:$0x3FB0]  }
0x2d: {  	s3 =	simm.s32 $0x108;
	s8 =	sld [smem:$0x3FB1]  }
0x2e: {  	s3 =	simm.s32 @!p0 $0x1082;
	s9 =	sld [smem:$0x3FB2]  }
0x2f: {  	lr =	sadd.s32 s0, s3;
	s0 =	sld [smem:$0x3FA9]  }
0x30: {  	s3 =	sld [smem:$0x3FAC]  }
0x31: {  	[smem:$0x3FB5] =	sst s10  }
0x32: {  	s10 =	sld [smem:$0x3FB3];
	_ =	sdelay $0x3  }
0x33: {  	p0 =	seq.s32 s10, $0x1;
	s10 =	sld [smem:$0x3FB5];
	_ =	sdelay $0x3  }
0x34: {  	[smem:$0x3FB5] =	sst s10  }
0x35: {  	s10 =	sld [smem:$0x3FB4];
	_ =	sdelay $0x3  }
0x36: {  	p1 =	seq.s32 s10, $0x1;
	s10 =	sld [smem:$0x3FB5];
	_ =	sdelay $0x3  }
0x37: {  	[smem:$0x3FB5] =	sst s10  }
0x38: {  	s10 =	sld [smem:$0x3FB6]  }
0x39: {  	_ = 	snop;
	(pc) =	sbr.ind lr, $3  }
0x3a: {  	_ = 	snop  }
0x3b: {  	_ = 	snop  }
0x3c: {  	p2 =	seq.s32 s10, $0x1;
	s10 =	sld [smem:$0x3FB5]  }
0x3d: {  	_ =	shalt  }
0x3e: {  	_ =	shalt  }
0x3f: {  	_ =	shalt  }
0x40: {  	_ =	shalt  }
0x41: {  	_ =	shalt  }
0x42: {  	_ =	shalt  }
0x43: {  	_ =	shalt  }
0x44: {  	_ =	shalt  }
0x45: {  	_ =	shalt  }
0x46: {  	_ =	shalt  }
0x47: {  	_ =	shalt  }
0x48: {  	_ =	shalt  }
0x49: {  	_ =	shalt  }
0x4a: {  	_ =	shalt  }
0x4b: {  	_ =	shalt  }
0x4c: {  	_ =	shalt  }
0x4d: {  	_ =	shalt  }
0x4e: {  	_ =	shalt  }
0x4f: {  	_ =	shalt  }
0x50: {  	_ =	shalt  }
0x51: {  	_ =	shalt  }
0x52: {  	_ =	shalt  }
0x53: {  	_ =	shalt  }
0x54: {  	_ =	shalt  }
0x55: {  	_ =	shalt  }
0x56: {  	_ =	shalt  }
0x57: {  	_ =	shalt  }
0x58: {  	_ =	shalt  }
0x59: {  	_ =	shalt  }
0x5a: {  	_ =	shalt  }
0x5b: {  	_ =	shalt  }
0x5c: {  	_ =	shalt  }
0x5d: {  	_ =	shalt  }
0x5e: {  	_ =	shalt  }
0x5f: {  	_ =	shalt  }
0x60: {  	_ =	shalt  }
0x61: {  	_ =	shalt  }
0x62: {  	_ =	shalt  }
0x63: {  	_ =	shalt  }
0x64: {  	_ =	shalt  }
0x65: {  	_ =	shalt  }
0x66: {  	_ =	shalt  }
0x67: {  	_ =	shalt  }
0x68: {  	_ =	shalt  }
0x69: {  	_ =	shalt  }
0x6a: {  	_ =	shalt  }
0x6b: {  	_ =	shalt  }
0x6c: {  	_ =	shalt  }
0x6d: {  	_ =	shalt  }
0x6e: {  	_ =	shalt  }
0x6f: {  	_ =	shalt  }
0x70: {  	_ =	shalt  }
0x71: {  	_ =	shalt  }
0x72: {  	_ =	shalt  }
0x73: {  	_ =	shalt  }
0x74: {  	_ =	shalt  }
0x75: {  	_ =	shalt  }
0x76: {  	_ =	shalt  }
0x77: {  	_ =	shalt  }
0x78: {  	_ =	shalt  }
0x79: {  	_ =	shalt  }
0x7a: {  	_ =	shalt  }
0x7b: {  	_ =	shalt  }
0x7c: {  	_ =	shalt  }
0x7d: {  	_ =	shalt  }
0x7e: {  	_ =	shalt  }
0x7f: {  	_ =	shalt  }
0x80: {  	_ =	shalt  }
0x81: {  	_ =	shalt  }
0x82: {  	_ =	shalt  }
0x83: {  	_ =	shalt  }
0x84: {  	_ =	shalt  }
0x85: {  	_ =	shalt  }
0x86: {  	_ =	shalt  }
0x87: {  	_ =	shalt  }
.Lfunc_end0:
.L_simem_size_0:
called_computation_lowered:
.L_overlay_start_0:
0x88: {  	s2 =	sld [smem:$0x3FD9]  }
0x89: {  	s3 =	sld [smem:$0x3FFE];
	_ =	sdelay $0x1  }
0x8a: {  	s1 =	srdreg.scid  }
0x8b: {  	s0 =	sand.u32 $0x1, s1  }
0x8c: {  	s16 =	sshll.u32 s0, $0xA;
	s2 =	sadd.s32 s3, s2  }
0x8d: {  	s2 =	sadd.s32 s2, s16  }
0x8e: {  	[smem:$0x3FC1] =	sst s2  }
0x8f: {  	_ = 	snop  }
0x90: {  	(tm) =	ssettm $0x1  }
0x91: {  	s17 =	sld [smem:$0x3FFB];
	_ =	sdelay $0x3  }
0x92: {  	_ =	strace s17  }
0x93: {  	s2 =	sld [smem:$0x3FFC];
	_ =	sdelay $0x3  }
0x94: {  	_ =	strace s2  }
0x95: {  	s2 =	sld [smem:$0x3FFD];
	_ =	sdelay $0x3  }
0x96: {  	_ =	strace s2  }
0x97: {  	_ =	strace $0x8FFFFFFF  }
0x98: {  	s18 =	sld [smem:$0x3FDB];
	_ =	sdelay $0x1  }
0x99: {  	s19 =	simm.s32 $_scs_section_size  }
0x9a: {  	s4 =	simm.s32 $_size__tile_overlayer_lowered;
	s5 =	simm.s32 $_tile_overlayer_lowered  }
0x9b: {  	s22 =	simm.s32 $0x1BFF;
	s21 =	sshll.u32 s5, $0x1;
	s2 =	sadd.s32 s19, s18  }
0x9c: {  	s6 =	simm.s32 $0x0;
	s20 =	sshll.u32 s4, $0x1;
	s4 =	sadd.s32 s21, s2  }
0x9d: {  	[timem:s6], [sflag:s22] =	dma.local [hbm:s4], s20  }
0x9e: {  	_ =	swait.ge [sflag:s22], s20  }
0x9f: {  	s3 =	ssub.s32 $0x0, s20;
	[sflag:s22] =	ssyncset.done $0x0  }
0xa0: {  	[sflag:s22] =	ssyncadd.s32 s3;
	_ =	sdelay $0x1  }
0xa1: {  	s23 =	simm.s32 $0x1B8B  }
0xa2: {  	_ =	swait.ge [sflag:s23], $0x1  }
0xa3: {  	[sflag:s23] =	ssyncset.done $0x0  }
0xa4: {  	s25 =	simm.s32 $0x1B8E;
	s24 =	sld [smem:$0x3FFE];
	[sflag:s23] =	ssyncadd.s32 $0xFFFFFFFF  }
0xa5: {  	s26 =	simm.s32 $execute0_lowered;
	[smem:$0x3FD2] =	sst s25  }
0xa6: {  	s4 =	sshll.u32 s26, $0x1;
	_ =	strace $0x80000046;
	[dreg:$0x1] =	wrdreg $0xFFFFFFFF  }
0xa7: {  	s28 =	simm.s32 $_size_execute0_lowered;
	s2 =	sadd.s32 s2, s4;
	[dreg:$0x0] =	wrdreg $0x0  }
0xa8: {  	s4 =	sshll.u32 s28, $0x1;
	[dreg:$0x2] =	wrdreg s2  }
0xa9: {  	[dreg:$0x3] =	wrdreg s4  }
0xaa: {  	[dreg:$0x4] =	wrdreg $0xC0  }
0xab: {  	_ =	task [dreg:s6], $0x5FFFF  }
0xac: {  	[dreg:$0x1] =	wrdreg $0xFFFFFFFF  }
0xad: {  	[dreg:$0x0] =	wrdreg $0x60  }
0xae: {  	[dreg:$0x2] =	wrdreg s24  }
0xaf: {  	[dreg:$0x3] =	wrdreg $0x9  }
0xb0: {  	_ =	task.clear_ibuf [dreg:s6], $0x4FFFF;
	_ =	strace $0x90000046  }
0xb1: {  	s29 =	simm.s32 $0x9;
	_ =	strace $0x80000048  }
0xb2: {  	_ =	swait.ge [sflag:s29], $0x1  }
0xb3: {  	[sflag:s29] =	ssyncadd.s32 $0xFFFFFFFF  }
0xb4: {  	_ =	strace $0x90000048  }
0xb5: {  	_ =	sfence  }
0xb6: {  	s30 =	sld [smem:$0x0];
	_ =	sdelay $0x2  }
0xb7: {  	s31 =	sshll.u32 s1, $0xD;
	s1 =	sshrl.u32 s1, $0x2  }
0xb8: {  	s3 =	sand.u32 $0x4000, s31;
	s1 =	sadd.s32 s1, s30  }
0xb9: {  	s0 =	sor.u32 s3, s0;
	s1 =	sshll.u32 s1, $0x11  }
0xba: {  	s0 =	sor.u32 s1, s0  }
0xbb: {  	s0 =	sadd.s32 $0x8F2B, s0  }
0xbc: {  	[sflag:s0] =	ssyncadd.remote.s32 $0x1  }
0xbd: {  	_ =	sfence.sel $0xFFFF  }
0xbe: {  	[dreg:$0x0] =	wrdreg $0xFFFFFFFF;
	(pc) =	sbr.abs _section_cstart, $3  }
0xbf: {  	[dreg:$0x1] =	wrdreg $0xFFFFFFFF  }
0xc0: {  	_ =	task.clear_ibuf [dreg:s6], $0x2FFFF;
	_ =	strace $0x9FFFFFFF  }
0xc1: {  	(tm) =	ssettm $0x7FFFFFFF  }
tec
execute0_lowered:
.L_overlay_start_1:
0x0: {  	(tag) =	ssettag $0x1  }
0x1: {  	s7 =	rddreg [dreg:$0x0];
	s0 =	srdreg.scid  }
0x2: {  	s2 =	stileid.u32;
	s3 =	simm.s32 $0x0;
	s12 =	simm.s32 $0x4B80  }
0x3: {  	s13 =	simm.s32 $0x1;
	s16 =	simm.s32 $0x2600;
	s17 =	simm.s32 $0x3280  }
0x4: {  	s18 =	simm.s32 $0x3F00;
	s19 =	simm.s32 $0x4C00;
	s20 =	simm.s32 $0x80  }
0x5: {  	s21 =	simm.s32 $0x400;
	s0 =	sand.u32 $0x1, s0;
	s1 =	sshll.u32 s2, $0x1  }
0x6: {  	s22 =	simm.s32 $0x0;
	s2 =	sshrl.u32 s2, $0x2;
	s1 =	sor.u32 s0, s1  }
0x7: {  	[smem:$0x7FF] =	sst s3;
	s4 =	sshll.u32 s1, $0x7;
	s1 =	smul.u32 $0xC80, s1  }
0x8: {  	s2 =	smul.u32 $0xB400, s2;
	_ =	strace $0x80000047;
	s0 =	ssub.s32 $0x2, s0  }
0x9: {  	s6 =	sshrl.u32 s0, $0x1;
	s4 =	sand.u32 $0x380, s4;
	s31 =	smin.u32 s1, $0x17A20  }
0xa: {  	s0 =	ssub.s32 s0, s6;
	s2 =	sor.u32 s2, s4;
	s5 =	sshrl.u32 s31, $0x3  }
0xb: {  	s11 =	smax.u32 s0, $0x1;
	s2 =	sshrl.u32 s2, $0x3;
	s9 =	sadd.s32 s7, s5  }
0xc: {  	s1 =	ssub.s32 s1, s31;
	s2 =	sadd.s32 s2, s7;
	s4 =	sadd.s32 $0x10, s9  }
0xd: {  	v1 =	vimm.f32 $0.0e+00;
	vm0 =	vmxor vm0, vm0;
	s5 =	sadd.s32 $0x30E4, s9;
	s6 =	sadd.s32 $0x61B8, s9;
	s7 =	sadd.s32 $0x928C, s9  }
0xe: {  	vm1 =	vcmask $0x3F3C;
	v2 =	vlaneseq.u32;
	v0 =	vmov s1;
	s8 =	sadd.s32 $0xC360, s9;
	s9 =	sadd.s32 $0xF434, s9;
	s10 =	sadd.s32 $0x12600, s2  }
.LBB2_1:
0xf: {  	s0 =	rddreg [dreg:$0x0]  }
0x10: {  	[tilespmem:s12], [sflag:$0x1] =	stream.linear.gather [hbm4b:s0+s3], $0x80, $0x38;
	[tilespmem:$0x6280] =	vst v63  }
0x11: {  	_ =	swait.ge [sflag:s13], $0x80  }
0x12: {  	[sflag:s13] =	ssyncset.done $0x0  }
0x13: {  	[sflag:s13] =	ssyncadd.s32 $0xFFFFFF80  }
0x14: {  	[tilespmem:s3], [sflag:$0x1] =	stream.linear.gather [hbm4b:s4+s3], $0xC80, $0x38;
	[tilespmem:$0x6280] =	vst v63  }
0x15: {  	_ =	swait.ge [sflag:s13], $0xC80  }
0x16: {  	[sflag:s13] =	ssyncset.done $0x0  }
0x17: {  	s30 =	simm.s32 $0xD00;
	[sflag:s13] =	ssyncadd.s32 $0xFFFFF380  }
0x18: {  	[tilespmem:s30], [sflag:$0x1] =	stream.linear.gather [hbm4b:s5+s3], $0xC80, $0x38;
	[tilespmem:$0x6280] =	vst v63  }
0x19: {  	_ =	swait.ge [sflag:s13], $0xC80  }
0x1a: {  	[sflag:s13] =	ssyncset.done $0x0  }
0x1b: {  	s31 =	simm.s32 $0x1980;
	[sflag:s13] =	ssyncadd.s32 $0xFFFFF380  }
0x1c: {  	[tilespmem:s31], [sflag:$0x1] =	stream.linear.gather [hbm4b:s6+s3], $0xC80, $0x38;
	[tilespmem:$0x6280] =	vst v63  }
0x1d: {  	_ =	swait.ge [sflag:s13], $0xC80  }
0x1e: {  	[sflag:s13] =	ssyncset.done $0x0  }
0x1f: {  	[sflag:s13] =	ssyncadd.s32 $0xFFFFF380  }
0x20: {  	[tilespmem:s16], [sflag:$0x1] =	stream.linear.gather [hbm4b:s7+s3], $0xC80, $0x38;
	[tilespmem:$0x6280] =	vst v63  }
0x21: {  	_ =	swait.ge [sflag:s13], $0xC80  }
0x22: {  	[sflag:s13] =	ssyncset.done $0x0  }
0x23: {  	[sflag:s13] =	ssyncadd.s32 $0xFFFFF380  }
0x24: {  	[tilespmem:s17], [sflag:$0x1] =	stream.linear.gather [hbm4b:s8+s3], $0xC80, $0x38;
	[tilespmem:$0x6280] =	vst v63  }
0x25: {  	_ =	swait.ge [sflag:s13], $0xC80  }
0x26: {  	[sflag:s13] =	ssyncset.done $0x0  }
0x27: {  	[sflag:s13] =	ssyncadd.s32 $0xFFFFF380  }
0x28: {  	[tilespmem:s18], [sflag:$0x1] =	stream.linear.gather [hbm4b:s9+s3], $0xC80, $0x38;
	[tilespmem:$0x6280] =	vst v63  }
0x29: {  	_ =	swait.ge [sflag:s13], $0xC80  }
0x2a: {  	[sflag:s13] =	ssyncset.done $0x0  }
0x2b: {  	s1 =	simm.s32 $0x200;
	s0 =	simm.s32 $0x0;
	[sflag:s13] =	ssyncadd.s32 $0xFFFFF380  }
.LBB2_2:
0x2c: {  	p0 =	sne.s32 s1, $0x5800;
	[tilespmem:s0+$0x4C70] =	vst v1  }
0x2d: {  	[tilespmem:s0+$0x4C00] =	vst v1  }
0x2e: {  	[tilespmem:s0+$0x4C10] =	vst v1  }
.Ltmp0:
0x2f: {  	[tilespmem:s0+$0x4C20] =	vst v1;
	(pc) =	sbr.rel @p0 .LBB2_2-.Ltmp0, $4  }
0x30: {  	[tilespmem:s0+$0x4C30] =	vst v1  }
0x31: {  	[tilespmem:s0+$0x4C40] =	vst v1  }
0x32: {  	[tilespmem:s0+$0x4C50] =	vst v1  }
0x33: {  	[tilespmem:s0+$0x4C60] =	vst v1;
	s0 =	sshra.s32 s1, $0x2;
	s1 =	sadd.s32 $0x200, s1  }
0x34: {  	[tilespmem:s0+$0x4C70] =	vst v1  }
0x35: {  	[tilespmem:s0+$0x4C00] =	vst v1  }
0x36: {  	[tilespmem:s0+$0x4C10] =	vst v1  }
0x37: {  	[tilespmem:s0+$0x4C20] =	vst v1  }
0x38: {  	[tilespmem:s0+$0x4C30] =	vst v1  }
0x39: {  	[tilespmem:s0+$0x4C40] =	vst v1  }
0x3a: {  	[tilespmem:s0+$0x4C50] =	vst v1  }
0x3b: {  	[tilespmem:s0+$0x4C60] =	vst v1;
	s31 =	simm.s32 $0x0  }
0x3c: {  	v4 =	vld [tilespmem:s31+$0x1980]  }
0x3d: {  	v3 =	vld [tilespmem:s31+$0xD00]  }
0x3e: {  	s23 =	simm.s32 $0x0  }
0x3f: {  	v7 =	vor.u32 s23, v2  }
0x40: {  	v5 =	vld [tilespmem:s31+$0x2600];
	vm2 =	vlt.u32 v7, v0  }
0x41: {  	v6 =	vld [tilespmem:s31+$0x3F00];
	v8 =	vsel vm2, $0x0, v4  }
0x42: {  	(xrf2) =	vadd.scan.msk.f32 $0xffff, v8;
	_ =	sdelay $0x1  }
0x43: {  	v9 =	vld [tilespmem:s31+$0x3280]  }
0x44: {  	v4 =	vmul.f32 v5, v8;
	v3 =	vld.idx.msk [tilespmem:v3+s12+$0x0], $0xffff  }
0x45: {  	v7 =	vmul.f32 v6, v8  }
0x46: {  	(xrf2) =	vadd.scan.msk.f32 $0xffff, v4  }
0x47: {  	(xrf2) =	vadd.scan.msk.f32 $0xffff, v7;
	_ =	sdelay $0x1  }
0x48: {  	v7 =	vmul.f32 v9, v9;
	v4 =	vsel vm2, $0x0, v3  }
0x49: {  	(xrf2) =	vadd.scan.msk.f32 $0xffff, v4;
	v3 =	vmul.f32 v4, v5;
	v5 =	vmul.f32 v5, v5  }
0x4a: {  	s1 =	simm.f32 $0.0e+00;
	v11, _, _ =	vpop (xrf2)  }
0x4b: {  	v13 =	vadd.f32 v7, v5;
	v5 =	vadd.f32 s1, v11  }
0x4c: {  	(xrf2) =	vadd.scan.msk.f32 $0xffff, v3  }
0x4d: {  	(v2sf) =	vpush v5, $0xF  }
0x4e: {  	v10 =	vld [tilespmem:s31+$0x1];
	v12 =	vmul.f32 v4, v9  }
0x4f: {  	v3 =	vld [tilespmem:s31+$0x0];
	v7, _, _ =	vpop (xrf2)  }
0x50: {  	p0 =	por $0x0, $0x0;
	v14 =	vmul.f32 v6, v6;
	vm2 =	vmmov vm0;
	v15 =	vmul.f32 v4, v6;
	v6, _, _ =	vpop (xrf2);
	(xrf2) =	vadd.scan.msk.f32 $0xffff, v12  }
0x51: {  	vm2 =	vmneg @p0 vm2  }
0x52: {  	vm2 =	vmand vm2, vm1  }
0x53: {  	v4 =	vsel vm2, $0xFFFFFFFF, v10;
	v11 =	vadd.f32 v14, v13;
	v13 =	vmul.f32 v9, v8;
	(xrf2) =	vadd.scan.msk.f32 $0xffff, v15;
	v9, _, _ =	vpop (xrf2)  }
0x54: {  	s24 =	simm.s32 $0x40;
	vm3 =	vgt.s32 v4, $0xFFFFFFFF;
	vm2 =	vne.s32 v3, v4;
	v10 =	vadd.f32 s1, v9  }
0x55: {  	s2 =	simm.f32 $0.0e+00;
	s0 =	simm.f32 $0.0e+00;
	s30 =	simm.f32 $0.0e+00;
	v8 =	vmul.f32 v11, v8;
	vm3 =	vmand vm2, vm3  }
0x56: {  	s28 =	simm.f32 $0.0e+00;
	s29 =	simm.f32 $0.0e+00;
	s25 =	simm.f32 $0.0e+00;
	(xrf2) =	vadd.scan.msk.f32 $0xffff, v13;
	v9 =	vadd.s32 $0x280, v3;
	v12, _, _ =	vpop (xrf2);
	v11 =	vsub.f32 $0.0e+00, v10;
	(v2sf) =	vpush v10, $0xF  }
.LBB2_4:
0x57: {  	p0 =	sne.s32 s24, $0x31C0  }
0x58: {  	s23 =	sadd.s32 $0x10, s23;
	s26 =	smov.u32 s24;
	s24 =	sadd.s32 $0x40, s24  }
0x59: {  	v13 =	vadd.s32 $0x280, v4  }
0x5a: {  	v17 =	vadd.f32 s1, v12;
	v14 =	vadd.s32 $0x500, v3;
	v15, _, _ =	vpop (xrf2)  }
0x5b: {  	[tilespmem:v3+s19+$0x0] =	vst.idx.add.f32.msk vm2, v10;
	v10 =	vadd.s32 $0x500, v4  }
0x5c: {  	v16 =	vadd.s32 $0x780, v3;
	s31 =	sshra.s32 s26, $0x2;
	v15 =	vadd.f32 s2, v15;
	[tilespmem:v4+s19+$0x0] =	vst.idx.add.f32.msk vm3, v11;
	v11 =	vsub.f32 $0.0e+00, v17;
	s14 =	spop (v2sf)  }
0x5d: {  	[tilespmem:v9+s19+$0x0] =	vst.idx.add.f32.msk vm2, v17;
	v9 =	vadd.s32 $0x780, v4;
	(v2sf) =	vpush v17, $0xF;
	v12, _, _ =	vpop (xrf2);
	(xrf2) =	vadd.scan.msk.f32 $0xffff, v8  }
0x5e: {  	v8 =	vsub.f32 $0.0e+00, v15;
	[tilespmem:v13+s19+$0x0] =	vst.idx.add.f32.msk vm3, v11;
	v11 =	vadd.f32 s0, v12;
	v12 =	vadd.s32 $0xA00, v3  }
0x5f: {  	v13 =	vadd.s32 $0xA00, v4;
	[tilespmem:v14+s19+$0x0] =	vst.idx.add.f32.msk vm2, v15;
	(v2sf) =	vpush v15, $0xF  }
0x60: {  	[tilespmem:v10+s19+$0x0] =	vst.idx.add.f32.msk vm3, v8;
	v8 =	vsub.f32 $0.0e+00, v11;
	v10 =	vadd.s32 $0xC80, v3;
	(v2sf) =	vpush v11, $0xF;
	v14, _, _ =	vpop (xrf2)  }
0x61: {  	[tilespmem:v16+s19+$0x0] =	vst.idx.add.f32.msk vm2, v11;
	v11 =	vadd.s32 $0xC80, v4  }
0x62: {  	v7 =	vadd.f32 s30, v7;
	[tilespmem:v9+s19+$0x0] =	vst.idx.add.f32.msk vm3, v8;
	v8 =	vsub.f32 $0.0e+00, v5;
	v9 =	vadd.s32 $0xF00, v3  }
0x63: {  	[tilespmem:v12+s19+$0x0] =	vst.idx.add.f32.msk vm2, v5;
	v5 =	vadd.s32 $0xF00, v4  }
0x64: {  	v15 =	vsub.f32 $0.0e+00, v7;
	v12 =	vadd.f32 s28, v14;
	[tilespmem:v13+s19+$0x0] =	vst.idx.add.f32.msk vm3, v8;
	v13 =	vadd.s32 $0x1180, v3  }
0x65: {  	v6 =	vadd.f32 s29, v6;
	[tilespmem:v10+s19+$0x0] =	vst.idx.add.f32.msk vm2, v7;
	v10 =	vadd.s32 $0x1180, v4;
	(v2sf) =	vpush v7, $0xF  }
0x66: {  	v3 =	vadd.s32 $0x1400, v3;
	v7 =	vsub.f32 $0.0e+00, v12;
	[tilespmem:v11+s19+$0x0] =	vst.idx.add.f32.msk vm3, v15;
	s15 =	spop (v2sf);
	(v2sf) =	vpush v12, $0xF  }
0x67: {  	v4 =	vadd.s32 $0x1400, v4;
	[tilespmem:v9+s19+$0x0] =	vst.idx.add.f32.msk vm2, v12;
	(v2sf) =	vpush v6, $0xF;
	v8, _, _ =	vpop (xrf2)  }
0x68: {  	[tilespmem:v5+s19+$0x0] =	vst.idx.add.f32.msk vm3, v7;
	v5 =	vsub.f32 $0.0e+00, v6;
	v7 =	vadd.f32 s25, v8  }
0x69: {  	v8 =	vor.u32 s23, v2;
	[tilespmem:v13+s19+$0x0] =	vst.idx.add.f32.msk vm2, v6  }
0x6a: {  	vm4 =	vlt.u32 v8, v0;
	[tilespmem:v10+s19+$0x0] =	vst.idx.add.f32.msk vm3, v5;
	v5 =	vsub.f32 $0.0e+00, v7;
	(v2sf) =	vpush v7, $0xF  }
0x6b: {  	[tilespmem:v3+s19+$0x0] =	vst.idx.add.f32.msk vm2, v7  }
0x6c: {  	[tilespmem:v4+s19+$0x0] =	vst.idx.add.f32.msk vm3, v5;
	s1 =	spop (v2sf)  }
0x6d: {  	v3 =	vld [tilespmem:s31+$0x1980]  }
0x6e: {  	v4 =	vld [tilespmem:s31+$0xD00];
	s2 =	spop (v2sf)  }
0x6f: {  	v5 =	vld [tilespmem:s31+$0x2600];
	s0 =	spop (v2sf);
	_ =	sdelay $0x1  }
0x70: {  	v6 =	vld [tilespmem:s31+$0x3F00]  }
0x71: {  	v9 =	vsel vm4, $0x0, v3  }
0x72: {  	(xrf2) =	vadd.scan.msk.f32 $0xffff, v9  }
0x73: {  	v3 =	vmul.f32 v5, v5;
	v7 =	vmul.f32 v5, v9;
	s30 =	spop (v2sf)  }
0x74: {  	s28 =	spop (v2sf)  }
0x75: {  	v4 =	vld.idx.msk [tilespmem:v4+s12+$0x0], $0xffff;
	v8 =	vmul.f32 v6, v9;
	(xrf2) =	vadd.scan.msk.f32 $0xffff, v7;
	s29 =	spop (v2sf);
	_ =	sdelay $0x1  }
0x76: {  	v10 =	vld [tilespmem:s31+$0x3280]  }
0x77: {  	v11 =	vld [tilespmem:s31+$0x1];
	(xrf2) =	vadd.scan.msk.f32 $0xffff, v8;
	s25 =	spop (v2sf);
	_ =	sdelay $0x2  }
0x78: {  	v4 =	vsel vm4, $0x0, v4  }
0x79: {  	v8 =	vmul.f32 v4, v5;
	v13 =	vmul.f32 v10, v10;
	(xrf2) =	vadd.scan.msk.f32 $0xffff, v4;
	v5, _, _ =	vpop (xrf2)  }
0x7a: {  	v12 =	vmul.f32 v4, v10;
	v4 =	vmul.f32 v4, v6;
	v5 =	vadd.f32 s14, v5  }
0x7b: {  	v6 =	vmul.f32 v6, v6;
	v3 =	vadd.f32 v13, v3  }
0x7c: {  	(xrf2) =	vadd.scan.msk.f32 $0xffff, v8;
	(v2sf) =	vpush v5, $0xF;
	v7, _, _ =	vpop (xrf2)  }
0x7d: {  	v13 =	vadd.f32 v6, v3;
	_ =	sdelay $0x1  }
0x7e: {  	v3 =	vld [tilespmem:s31+$0x0];
	v8 =	vmul.f32 v13, v9;
	(xrf2) =	vadd.scan.msk.f32 $0xffff, v12;
	v6, _, _ =	vpop (xrf2)  }
0x7f: {  	p1 =	seq.s32 s26, $0x31C0;
	vm2 =	vmmov vm0  }
0x80: {  	vm2 =	vmneg @p1 vm2  }
.Ltmp1:
0x81: {  	vm2 =	vmand vm2, vm1;
	(xrf2) =	vadd.scan.msk.f32 $0xffff, v4;
	(pc) =	sbr.rel @p0 .LBB2_4-.Ltmp1, $4  }
0x82: {  	v4 =	vsel vm2, $0xFFFFFFFF, v11;
	v11 =	vmul.f32 v10, v9;
	v9, _, _ =	vpop (xrf2)  }
0x83: {  	vm3 =	vgt.s32 v4, $0xFFFFFFFF;
	vm2 =	vne.s32 v3, v4;
	v10 =	vadd.f32 s15, v9  }
0x84: {  	v9 =	vadd.s32 $0x280, v3;
	vm3 =	vmand vm2, vm3;
	(xrf2) =	vadd.scan.msk.f32 $0xffff, v11  }
0x85: {  	v11 =	vsub.f32 $0.0e+00, v10;
	(v2sf) =	vpush v10, $0xF;
	v12, _, _ =	vpop (xrf2)  }
0x86: {  	(xrf2) =	vadd.scan.msk.f32 $0xffff, v8;
	_ =	sdelay $0x2  }
0x87: {  	v15 =	vadd.s32 $0x280, v4  }
0x88: {  	v12 =	vadd.f32 s1, v12;
	v16 =	vadd.s32 $0x500, v3;
	v44, _, _ =	vpop (xrf2)  }
0x89: {  	v7 =	vadd.f32 s30, v7;
	[tilespmem:v3+s19+$0x0] =	vst.idx.add.f32.msk vm2, v10;
	v45 =	vadd.s32 $0x500, v4;
	v8 =	vadd.f32 s2, v44  }
0x8a: {  	v18 =	vadd.s32 $0x780, v3;
	[tilespmem:v4+s19+$0x0] =	vst.idx.add.f32.msk vm3, v11;
	(v2sf) =	vpush v12, $0xF;
	v46 =	vsub.f32 $0.0e+00, v12;
	v13, _, _ =	vpop (xrf2)  }
0x8b: {  	v47 =	vadd.s32 $0x780, v4;
	[tilespmem:v9+s19+$0x0] =	vst.idx.add.f32.msk vm2, v12;
	(v2sf) =	vpush v8, $0xF;
	v13 =	vadd.f32 s0, v13  }
0x8c: {  	v6 =	vadd.f32 s29, v6;
	v49 =	vadd.s32 $0xA00, v3;
	[tilespmem:v15+s19+$0x0] =	vst.idx.add.f32.msk vm3, v46;
	v48 =	vsub.f32 $0.0e+00, v8;
	v14, _, _ =	vpop (xrf2)  }
0x8d: {  	v50 =	vadd.s32 $0xA00, v4;
	[tilespmem:v16+s19+$0x0] =	vst.idx.add.f32.msk vm2, v8;
	(v2sf) =	vpush v13, $0xF;
	v14 =	vadd.f32 s28, v14  }
0x8e: {  	v52 =	vadd.s32 $0xC80, v3;
	[tilespmem:v45+s19+$0x0] =	vst.idx.add.f32.msk vm3, v48;
	v51 =	vsub.f32 $0.0e+00, v13;
	(v2sf) =	vpush v7, $0xF;
	v17, _, _ =	vpop (xrf2)  }
0x8f: {  	v53 =	vadd.s32 $0xC80, v4;
	[tilespmem:v18+s19+$0x0] =	vst.idx.add.f32.msk vm2, v13;
	(v2sf) =	vpush v14, $0xF;
	v17 =	vadd.f32 s25, v17  }
0x90: {  	v54 =	vsub.f32 $0.0e+00, v5;
	v55 =	vadd.s32 $0xF00, v3;
	[tilespmem:v47+s19+$0x0] =	vst.idx.add.f32.msk vm3, v51;
	(v2sf) =	vpush v6, $0xF  }
0x91: {  	v56 =	vadd.s32 $0xF00, v4;
	[tilespmem:v49+s19+$0x0] =	vst.idx.add.f32.msk vm2, v5;
	(v2sf) =	vpush v17, $0xF  }
0x92: {  	v58 =	vadd.s32 $0x1180, v3;
	v57 =	vsub.f32 $0.0e+00, v7;
	[tilespmem:v50+s19+$0x0] =	vst.idx.add.f32.msk vm3, v54  }
0x93: {  	v59 =	vadd.s32 $0x1180, v4;
	[tilespmem:v52+s19+$0x0] =	vst.idx.add.f32.msk vm2, v7  }
0x94: {  	v3 =	vadd.s32 $0x1400, v3;
	v60 =	vsub.f32 $0.0e+00, v14;
	[tilespmem:v53+s19+$0x0] =	vst.idx.add.f32.msk vm3, v57  }
0x95: {  	v61 =	vadd.s32 $0x1400, v4;
	[tilespmem:v55+s19+$0x0] =	vst.idx.add.f32.msk vm2, v14  }
0x96: {  	v62 =	vsub.f32 $0.0e+00, v6;
	[tilespmem:v56+s19+$0x0] =	vst.idx.add.f32.msk vm3, v60  }
0x97: {  	s15 =	spop (v2sf);
	[tilespmem:v58+s19+$0x0] =	vst.idx.add.f32.msk vm2, v6  }
0x98: {  	v63 =	vsub.f32 $0.0e+00, v17;
	s23 =	spop (v2sf);
	[tilespmem:v59+s19+$0x0] =	vst.idx.add.f32.msk vm3, v62  }
0x99: {  	s24 =	spop (v2sf);
	[tilespmem:v3+s19+$0x0] =	vst.idx.add.f32.msk vm2, v17  }
0x9a: {  	s25 =	spop (v2sf);
	[tilespmem:v61+s19+$0x0] =	vst.idx.add.f32.msk vm3, v63  }
0x9b: {  	[hbm4b:s10+s20] =	stream.strided.scatter [tilespmem:s19], [sflag:$0x1], $0x1680, s21, s20, $0x38;
	[tilespmem:$0x6280] =	vst v63  }
0x9c: {  	s26 =	spop (v2sf)  }
0x9d: {  	s22 =	sadd.s32 $0x1, s22;
	s28 =	spop (v2sf)  }
0x9e: {  	p0 =	sne.s32 s22, s11;
	s29 =	spop (v2sf)  }
.Ltmp2:
0x9f: {  	s30 =	spop (v2sf);
	(pc) =	sbr.rel @p0 .LBB2_1-.Ltmp2, $4  }
0xa0: {  	s31 =	spop (v2sf)  }
0xa1: {  	_ =	swait.ge [sflag:s13], $0x1680  }
0xa2: {  	[sflag:s13] =	ssyncset.done $0x0  }
0xa3: {  	[sflag:s13] =	ssyncadd.s32 $0xFFFFE980  }
0xa4: {  	_ =	sfence.sel $0x180000  }
0xa5: {  	[bflag:$0x0] =	sbarrier.arrive $0xFFFF  }
0xa6: {  	_ =	strace $0x90000047  }
0xa7: {  	s0 =	stileid.u32;
	[bflag:$0x2] =	sbarrier.arrive $0xFFFF  }
0xa8: {  	p0 =	sne.s32 s0, $0x0;
	s0 =	rddreg [dreg:$0x1]  }
0xa9: {  	s0 =	sadd.s32 @!p0 $0x100000, s0  }
0xaa: {  	[sflag:s0] =	ssyncadd.tile.s32 @!p0 $0x1;
	_ =	shalt  }
.Lfunc_end2:
_tile_overlayer_lowered:
.L_overlay_start_2:
0xab: {  	(tag) =	ssettag $0x2  }
0xac: {  	s0 =	rddreg [dreg:$0x0];
	s2 =	stileid.u32  }
0xad: {  	s1 =	rddreg [dreg:$0x1];
	p0 =	sne.s32 s2, $0x0  }
0xae: {  	s3 =	rddreg [dreg:$0x2];
	[bflag:$0x3] =	sbarrier.arrive $0xFFFF;
	s2 =	simm.s32 @!p0 $0x1C01  }
0xaf: {  	[timem:s3], [sflag:s2] =	dma.local @!p0 [hbm:s0], s1  }
0xb0: {  	s0 =	simm.s32 @!p0 $0x1  }
0xb1: {  	_ =	swait.ge @!p0 [sflag:s0], s1  }
0xb2: {  	s1 =	ssub.s32 @!p0 $0x0, s1;
	[sflag:s0] =	ssyncset.done @!p0 $0x0  }
0xb3: {  	[sflag:s0] =	ssyncadd.s32 @!p0 s1  }
0xb4: {  	[bflag:$0x3] =	sbarrier.arrive $0xFFFF  }
0xb5: {  	_ =	shalt  }

</sc_bundles>
